<compile_context>
chip_gen: v7x
topology: tpu7x:2x2x1
jax: 0.10.2.dev20260603
libtpu: 0.0.44.dev20260713+nightly
codegen_flags: <defaults>
</compile_context>

<pallas_src>
import functools

import jax
import jax.numpy as jnp
from jax import lax
from jax.experimental import pallas as pl
from jax.experimental.pallas import tpu as pltpu
from jax.experimental.pallas import tpu_sc as plsc

DEPTH = 1000
BATCH = 16384
NC = 2
NS = 16
NW = NC * NS
COLS_PER_W = BATCH // NW
CCHUNK = 128
NCHUNK = COLS_PER_W // CCHUNK
ZROWS = 4


def _sc_body(idx_hbm, out_hbm, idx_v, buf, sem, idx_sem):
    wid = lax.axis_index("s") * NC + lax.axis_index("c")
    base = wid * COLS_PER_W
    idx_copy = pltpu.async_copy(
        idx_hbm.at[pl.ds(base, COLS_PER_W)], idx_v, idx_sem
    )
    lane = lax.iota(jnp.int32, 16)
    one_v = jnp.full((16,), 1.0, jnp.float32)
    zero_v = jnp.zeros((16,), jnp.float32)

    def zero_rows(i, carry):
        for r in range(ZROWS):
            for g in range(CCHUNK // 16):
                buf[i * ZROWS + r, pl.ds(g * 16, 16)] = zero_v
        return carry

    lax.fori_loop(0, DEPTH // ZROWS, zero_rows, 0)
    idx_copy.wait()

    def scatter(c, val):
        for g in range(CCHUNK // 16):
            cols = lane + g * 16
            rows = idx_v[pl.ds(c * CCHUNK + g * 16, 16)]
            plsc.store_scatter(buf, [rows, cols], val)

    for c in range(NCHUNK):
        if c > 0:
            pltpu.make_async_copy(
                buf, out_hbm.at[:, pl.ds(base + (c - 1) * CCHUNK, CCHUNK)], sem
            ).wait()
            scatter(c - 1, zero_v)
        scatter(c, one_v)
        pltpu.async_copy(
            buf, out_hbm.at[:, pl.ds(base + c * CCHUNK, CCHUNK)], sem
        )
    pltpu.make_async_copy(
        buf, out_hbm.at[:, pl.ds(base + (NCHUNK - 1) * CCHUNK, CCHUNK)], sem
    ).wait()


def kernel(X_in, ones):
    del ones
    idx = X_in.astype(jnp.int32)
    mesh = plsc.VectorSubcoreMesh(
        core_axis_name="c", subcore_axis_name="s", num_cores=NC, num_subcores=NS
    )
    run = functools.partial(
        pl.kernel,
        out_type=jax.ShapeDtypeStruct((DEPTH, BATCH), jnp.float32),
        mesh=mesh,
        compiler_params=pltpu.CompilerParams(
            needs_layout_passes=False, use_tc_tiling_on_sc=True
        ),
        scratch_types=[
            pltpu.VMEM((COLS_PER_W,), jnp.int32),
            pltpu.VMEM((DEPTH, CCHUNK), jnp.float32),
            pltpu.SemaphoreType.DMA,
            pltpu.SemaphoreType.DMA,
        ],
    )(_sc_body)
    return run(idx).T

# --- scband reference (transcript-rebuilt; emitter-appended) ---
"""Pipeline reference for scband-one-hot-55508157333741 (READ-ONLY COPY).

The authoritative reference and input builder live on the scoring server;
editing this copy changes nothing except your own understanding.
"""

import jax, jax.numpy as jnp
import numpy as np

DEPTH = 1000
BATCH = 16384

def setup_inputs(seed: int = 0) -> dict:
    key = jax.random.key(seed)
    k1, _ = jax.random.split(key)
    X_in = jax.random.randint(k1, (BATCH,), 0, DEPTH, dtype=jnp.int64 if jax.config.jax_enable_x64 else jnp.int32)
    # The module's 'parameter' is an identity matrix (self.ones = eye(depth))
    ones = jnp.eye(DEPTH, dtype=jnp.float32)
    return {"X_in": X_in, "ones": ones}

def reference(X_in, ones):
    # One_Hot.forward: self.ones.index_select(0, X_in) == gather rows of eye by index
    idx = X_in.astype(jnp.int32)
    return jnp.take(ones, idx, axis=0)

if __name__ == "__main__":
    import jax
    _d = setup_inputs()
    print(jax.jit(kernel)(*tuple(_d.values())))

</pallas_src>

<mosaic_0001>
#map = affine_map<(d0, d1) -> (0)>
#map1 = affine_map<(d0, d1) -> (0, 0)>
module attributes {stable_mosaic.version = 14 : i64} {
  func.func @_sc_body(%arg0: i32, %arg1: i32, %arg2: memref<16384xi32, #tpu.memory_space<hbm>>, %arg3: memref<1000x16384xf32, #tpu.memory_space<hbm>>, %arg4: memref<512xi32, #tpu.memory_space<vmem>>, %arg5: memref<1000x128xf32, #tpu.memory_space<vmem>>, %arg6: memref<!tpu.dma_semaphore, #tpu.memory_space<semaphore_mem>>, %arg7: memref<!tpu.dma_semaphore, #tpu.memory_space<semaphore_mem>>) attributes {dimension_semantics = [#tpu.dimension_semantics<core_parallel>, #tpu.dimension_semantics<subcore_parallel>], iteration_bounds = array<i64: 2, 16>, scalar_prefetch = 0 : i64, scratch_operands = 4 : i64, tpu.core_type = #tpu.core_type<sc_vector_subcore>, window_params = [{transform_indices = #map}, {transform_indices = #map1}]} {
    %mul3A = arith.constant 2 : i32
    %mul3A_0 = arith.muli %arg1, %mul3A : i32
    %add3A = arith.addi %mul3A_0, %arg0 : i32
    %mul3A_1 = arith.constant 512 : i32
    %mul3A_2 = arith.muli %add3A, %mul3A_1 : i32
    %dma_start3A = tpu.memref_slice %arg2[%mul3A_2] : memref<16384xi32, #tpu.memory_space<hbm>> -> memref<512xi32, #tpu.memory_space<hbm>>
    %dma_start3A_3 = tpu.memref_slice %arg2[%mul3A_2] : memref<16384xi32, #tpu.memory_space<hbm>> -> memref<512xi32, #tpu.memory_space<hbm>>
    tpu.enqueue_dma source(%dma_start3A_3 : memref<512xi32, #tpu.memory_space<hbm>>) target(%arg4 : memref<512xi32, #tpu.memory_space<vmem>>) target_semaphore(%arg7 : memref<!tpu.dma_semaphore, #tpu.memory_space<semaphore_mem>>)
    %iota3A = tpu.iota {dimensions = array<i32: 0>} : vector<16xi32>
    %broadcast_in_dim3A = arith.constant 1.000000e+00 : f32
    %broadcast_in_dim3A_4 = vector.broadcast %broadcast_in_dim3A : f32 to vector<16xf32>
    %broadcast_in_dim3A_5 = arith.constant 0.000000e+00 : f32
    %broadcast_in_dim3A_6 = vector.broadcast %broadcast_in_dim3A_5 : f32 to vector<16xf32>
    %scan3A = arith.constant 0 : i32
    %scan3A_7 = arith.constant 0 : i32
    %scan3A_8 = arith.constant 250 : i32
    %scan3A_9 = arith.addi %scan3A_7, %scan3A_8 : i32
    %scan3A_10 = arith.constant 1 : i32
    scf.for %scan3A_340 = %scan3A_7 to %scan3A_9 step %scan3A_10  : i32 {
      %mul3A_341 = arith.constant 4 : i32
      %mul3A_342 = arith.muli %scan3A_340, %mul3A_341 : i32
      %add3A_343 = arith.constant 0 : i32
      %add3A_344 = arith.addi %mul3A_342, %add3A_343 : i32
      %swap3A = arith.index_cast %add3A_344 : i32 to index
      %swap3A_345 = arith.constant 0 : index
      %swap3A_346 = tpu.vector_load %arg5[%swap3A, %swap3A_345] {strides = array<i32>} : memref<1000x128xf32, #tpu.memory_space<vmem>>, vector<16xf32>,
      tpu.vector_store %arg5[%swap3A, %swap3A_345], %broadcast_in_dim3A_6 {strides = array<i32>} : memref<1000x128xf32, #tpu.memory_space<vmem>>, vector<16xf32>,
      %mul3A_347 = arith.constant 4 : i32
      %mul3A_348 = arith.muli %scan3A_340, %mul3A_347 : i32
      %add3A_349 = arith.constant 0 : i32
      %add3A_350 = arith.addi %mul3A_348, %add3A_349 : i32
      %swap3A_351 = arith.index_cast %add3A_350 : i32 to index
      %swap3A_352 = arith.constant 16 : index
      %swap3A_353 = tpu.vector_load %arg5[%swap3A_351, %swap3A_352] {strides = array<i32>} : memref<1000x128xf32, #tpu.memory_space<vmem>>, vector<16xf32>,
      tpu.vector_store %arg5[%swap3A_351, %swap3A_352], %broadcast_in_dim3A_6 {strides = array<i32>} : memref<1000x128xf32, #tpu.memory_space<vmem>>, vector<16xf32>,
      %mul3A_354 = arith.constant 4 : i32
      %mul3A_355 = arith.muli %scan3A_340, %mul3A_354 : i32
      %add3A_356 = arith.constant 0 : i32
      %add3A_357 = arith.addi %mul3A_355, %add3A_356 : i32
      %swap3A_358 = arith.index_cast %add3A_357 : i32 to index
      %swap3A_359 = arith.constant 32 : index
      %swap3A_360 = tpu.vector_load %arg5[%swap3A_358, %swap3A_359] {strides = array<i32>} : memref<1000x128xf32, #tpu.memory_space<vmem>>, vector<16xf32>,
      tpu.vector_store %arg5[%swap3A_358, %swap3A_359], %broadcast_in_dim3A_6 {strides = array<i32>} : memref<1000x128xf32, #tpu.memory_space<vmem>>, vector<16xf32>,
      %mul3A_361 = arith.constant 4 : i32
      %mul3A_362 = arith.muli %scan3A_340, %mul3A_361 : i32
      %add3A_363 = arith.constant 0 : i32
      %add3A_364 = arith.addi %mul3A_362, %add3A_363 : i32
      %swap3A_365 = arith.index_cast %add3A_364 : i32 to index
      %swap3A_366 = arith.constant 48 : index
      %swap3A_367 = tpu.vector_load %arg5[%swap3A_365, %swap3A_366] {strides = array<i32>} : memref<1000x128xf32, #tpu.memory_space<vmem>>, vector<16xf32>,
      tpu.vector_store %arg5[%swap3A_365, %swap3A_366], %broadcast_in_dim3A_6 {strides = array<i32>} : memref<1000x128xf32, #tpu.memory_space<vmem>>, vector<16xf32>,
      %mul3A_368 = arith.constant 4 : i32
      %mul3A_369 = arith.muli %scan3A_340, %mul3A_368 : i32
      %add3A_370 = arith.constant 0 : i32
      %add3A_371 = arith.addi %mul3A_369, %add3A_370 : i32
      %swap3A_372 = arith.index_cast %add3A_371 : i32 to index
      %swap3A_373 = arith.constant 64 : index
      %swap3A_374 = tpu.vector_load %arg5[%swap3A_372, %swap3A_373] {strides = array<i32>} : memref<1000x128xf32, #tpu.memory_space<vmem>>, vector<16xf32>,
      tpu.vector_store %arg5[%swap3A_372, %swap3A_373], %broadcast_in_dim3A_6 {strides = array<i32>} : memref<1000x128xf32, #tpu.memory_space<vmem>>, vector<16xf32>,
      %mul3A_375 = arith.constant 4 : i32
      %mul3A_376 = arith.muli %scan3A_340, %mul3A_375 : i32
      %add3A_377 = arith.constant 0 : i32
      %add3A_378 = arith.addi %mul3A_376, %add3A_377 : i32
      %swap3A_379 = arith.index_cast %add3A_378 : i32 to index
      %swap3A_380 = arith.constant 80 : index
      %swap3A_381 = tpu.vector_load %arg5[%swap3A_379, %swap3A_380] {strides = array<i32>} : memref<1000x128xf32, #tpu.memory_space<vmem>>, vector<16xf32>,
      tpu.vector_store %arg5[%swap3A_379, %swap3A_380], %broadcast_in_dim3A_6 {strides = array<i32>} : memref<1000x128xf32, #tpu.memory_space<vmem>>, vector<16xf32>,
      %mul3A_382 = arith.constant 4 : i32
      %mul3A_383 = arith.muli %scan3A_340, %mul3A_382 : i32
      %add3A_384 = arith.constant 0 : i32
      %add3A_385 = arith.addi %mul3A_383, %add3A_384 : i32
      %swap3A_386 = arith.index_cast %add3A_385 : i32 to index
      %swap3A_387 = arith.constant 96 : index
      %swap3A_388 = tpu.vector_load %arg5[%swap3A_386, %swap3A_387] {strides = array<i32>} : memref<1000x128xf32, #tpu.memory_space<vmem>>, vector<16xf32>,
      tpu.vector_store %arg5[%swap3A_386, %swap3A_387], %broadcast_in_dim3A_6 {strides = array<i32>} : memref<1000x128xf32, #tpu.memory_space<vmem>>, vector<16xf32>,
      %mul3A_389 = arith.constant 4 : i32
      %mul3A_390 = arith.muli %scan3A_340, %mul3A_389 : i32
      %add3A_391 = arith.constant 0 : i32
      %add3A_392 = arith.addi %mul3A_390, %add3A_391 : i32
      %swap3A_393 = arith.index_cast %add3A_392 : i32 to index
      %swap3A_394 = arith.constant 112 : index
      %swap3A_395 = tpu.vector_load %arg5[%swap3A_393, %swap3A_394] {strides = array<i32>} : memref<1000x128xf32, #tpu.memory_space<vmem>>, vector<16xf32>,
      tpu.vector_store %arg5[%swap3A_393, %swap3A_394], %broadcast_in_dim3A_6 {strides = array<i32>} : memref<1000x128xf32, #tpu.memory_space<vmem>>, vector<16xf32>,
      %mul3A_396 = arith.constant 4 : i32
      %mul3A_397 = arith.muli %scan3A_340, %mul3A_396 : i32
      %add3A_398 = arith.constant 1 : i32
      %add3A_399 = arith.addi %mul3A_397, %add3A_398 : i32
      %swap3A_400 = arith.index_cast %add3A_399 : i32 to index
      %swap3A_401 = arith.constant 0 : index
      %swap3A_402 = tpu.vector_load %arg5[%swap3A_400, %swap3A_401] {strides = array<i32>} : memref<1000x128xf32, #tpu.memory_space<vmem>>, vector<16xf32>,
      tpu.vector_store %arg5[%swap3A_400, %swap3A_401], %broadcast_in_dim3A_6 {strides = array<i32>} : memref<1000x128xf32, #tpu.memory_space<vmem>>, vector<16xf32>,
      %mul3A_403 = arith.constant 4 : i32
      %mul3A_404 = arith.muli %scan3A_340, %mul3A_403 : i32
      %add3A_405 = arith.constant 1 : i32
      %add3A_406 = arith.addi %mul3A_404, %add3A_405 : i32
      %swap3A_407 = arith.index_cast %add3A_406 : i32 to index
      %swap3A_408 = arith.constant 16 : index
      %swap3A_409 = tpu.vector_load %arg5[%swap3A_407, %swap3A_408] {strides = array<i32>} : memref<1000x128xf32, #tpu.memory_space<vmem>>, vector<16xf32>,
      tpu.vector_store %arg5[%swap3A_407, %swap3A_408], %broadcast_in_dim3A_6 {strides = array<i32>} : memref<1000x128xf32, #tpu.memory_space<vmem>>, vector<16xf32>,
      %mul3A_410 = arith.constant 4 : i32
      %mul3A_411 = arith.muli %scan3A_340, %mul3A_410 : i32
      %add3A_412 = arith.constant 1 : i32
      %add3A_413 = arith.addi %mul3A_411, %add3A_412 : i32
      %swap3A_414 = arith.index_cast %add3A_413 : i32 to index
      %swap3A_415 = arith.constant 32 : index
      %swap3A_416 = tpu.vector_load %arg5[%swap3A_414, %swap3A_415] {strides = array<i32>} : memref<1000x128xf32, #tpu.memory_space<vmem>>, vector<16xf32>,
      tpu.vector_store %arg5[%swap3A_414, %swap3A_415], %broadcast_in_dim3A_6 {strides = array<i32>} : memref<1000x128xf32, #tpu.memory_space<vmem>>, vector<16xf32>,
      %mul3A_417 = arith.constant 4 : i32
      %mul3A_418 = arith.muli %scan3A_340, %mul3A_417 : i32
      %add3A_419 = arith.constant 1 : i32
      %add3A_420 = arith.addi %mul3A_418, %add3A_419 : i32
      %swap3A_421 = arith.index_cast %add3A_420 : i32 to index
      %swap3A_422 = arith.constant 48 : index
      %swap3A_423 = tpu.vector_load %arg5[%swap3A_421, %swap3A_422] {strides = array<i32>} : memref<1000x128xf32, #tpu.memory_space<vmem>>, vector<16xf32>,
      tpu.vector_store %arg5[%swap3A_421, %swap3A_422], %broadcast_in_dim3A_6 {strides = array<i32>} : memref<1000x128xf32, #tpu.memory_space<vmem>>, vector<16xf32>,
      %mul3A_424 = arith.constant 4 : i32
      %mul3A_425 = arith.muli %scan3A_340, %mul3A_424 : i32
      %add3A_426 = arith.constant 1 : i32
      %add3A_427 = arith.addi %mul3A_425, %add3A_426 : i32
      %swap3A_428 = arith.index_cast %add3A_427 : i32 to index
      %swap3A_429 = arith.constant 64 : index
      %swap3A_430 = tpu.vector_load %arg5[%swap3A_428, %swap3A_429] {strides = array<i32>} : memref<1000x128xf32, #tpu.memory_space<vmem>>, vector<16xf32>,
      tpu.vector_store %arg5[%swap3A_428, %swap3A_429], %broadcast_in_dim3A_6 {strides = array<i32>} : memref<1000x128xf32, #tpu.memory_space<vmem>>, vector<16xf32>,
      %mul3A_431 = arith.constant 4 : i32
      %mul3A_432 = arith.muli %scan3A_340, %mul3A_431 : i32
      %add3A_433 = arith.constant 1 : i32
      %add3A_434 = arith.addi %mul3A_432, %add3A_433 : i32
      %swap3A_435 = arith.index_cast %add3A_434 : i32 to index
      %swap3A_436 = arith.constant 80 : index
      %swap3A_437 = tpu.vector_load %arg5[%swap3A_435, %swap3A_436] {strides = array<i32>} : memref<1000x128xf32, #tpu.memory_space<vmem>>, vector<16xf32>,
      tpu.vector_store %arg5[%swap3A_435, %swap3A_436], %broadcast_in_dim3A_6 {strides = array<i32>} : memref<1000x128xf32, #tpu.memory_space<vmem>>, vector<16xf32>,
      %mul3A_438 = arith.constant 4 : i32
      %mul3A_439 = arith.muli %scan3A_340, %mul3A_438 : i32
      %add3A_440 = arith.constant 1 : i32
      %add3A_441 = arith.addi %mul3A_439, %add3A_440 : i32
      %swap3A_442 = arith.index_cast %add3A_441 : i32 to index
      %swap3A_443 = arith.constant 96 : index
      %swap3A_444 = tpu.vector_load %arg5[%swap3A_442, %swap3A_443] {strides = array<i32>} : memref<1000x128xf32, #tpu.memory_space<vmem>>, vector<16xf32>,
      tpu.vector_store %arg5[%swap3A_442, %swap3A_443], %broadcast_in_dim3A_6 {strides = array<i32>} : memref<1000x128xf32, #tpu.memory_space<vmem>>, vector<16xf32>,
      %mul3A_445 = arith.constant 4 : i32
      %mul3A_446 = arith.muli %scan3A_340, %mul3A_445 : i32
      %add3A_447 = arith.constant 1 : i32
      %add3A_448 = arith.addi %mul3A_446, %add3A_447 : i32
      %swap3A_449 = arith.index_cast %add3A_448 : i32 to index
      %swap3A_450 = arith.constant 112 : index
      %swap3A_451 = tpu.vector_load %arg5[%swap3A_449, %swap3A_450] {strides = array<i32>} : memref<1000x128xf32, #tpu.memory_space<vmem>>, vector<16xf32>,
      tpu.vector_store %arg5[%swap3A_449, %swap3A_450], %broadcast_in_dim3A_6 {strides = array<i32>} : memref<1000x128xf32, #tpu.memory_space<vmem>>, vector<16xf32>,
      %mul3A_452 = arith.constant 4 : i32
      %mul3A_453 = arith.muli %scan3A_340, %mul3A_452 : i32
      %add3A_454 = arith.constant 2 : i32
      %add3A_455 = arith.addi %mul3A_453, %add3A_454 : i32
      %swap3A_456 = arith.index_cast %add3A_455 : i32 to index
      %swap3A_457 = arith.constant 0 : index
      %swap3A_458 = tpu.vector_load %arg5[%swap3A_456, %swap3A_457] {strides = array<i32>} : memref<1000x128xf32, #tpu.memory_space<vmem>>, vector<16xf32>,
      tpu.vector_store %arg5[%swap3A_456, %swap3A_457], %broadcast_in_dim3A_6 {strides = array<i32>} : memref<1000x128xf32, #tpu.memory_space<vmem>>, vector<16xf32>,
      %mul3A_459 = arith.constant 4 : i32
      %mul3A_460 = arith.muli %scan3A_340, %mul3A_459 : i32
      %add3A_461 = arith.constant 2 : i32
      %add3A_462 = arith.addi %mul3A_460, %add3A_461 : i32
      %swap3A_463 = arith.index_cast %add3A_462 : i32 to index
      %swap3A_464 = arith.constant 16 : index
      %swap3A_465 = tpu.vector_load %arg5[%swap3A_463, %swap3A_464] {strides = array<i32>} : memref<1000x128xf32, #tpu.memory_space<vmem>>, vector<16xf32>,
      tpu.vector_store %arg5[%swap3A_463, %swap3A_464], %broadcast_in_dim3A_6 {strides = array<i32>} : memref<1000x128xf32, #tpu.memory_space<vmem>>, vector<16xf32>,
      %mul3A_466 = arith.constant 4 : i32
      %mul3A_467 = arith.muli %scan3A_340, %mul3A_466 : i32
      %add3A_468 = arith.constant 2 : i32
      %add3A_469 = arith.addi %mul3A_467, %add3A_468 : i32
      %swap3A_470 = arith.index_cast %add3A_469 : i32 to index
      %swap3A_471 = arith.constant 32 : index
      %swap3A_472 = tpu.vector_load %arg5[%swap3A_470, %swap3A_471] {strides = array<i32>} : memref<1000x128xf32, #tpu.memory_space<vmem>>, vector<16xf32>,
      tpu.vector_store %arg5[%swap3A_470, %swap3A_471], %broadcast_in_dim3A_6 {strides = array<i32>} : memref<1000x128xf32, #tpu.memory_space<vmem>>, vector<16xf32>,
      %mul3A_473 = arith.constant 4 : i32
      %mul3A_474 = arith.muli %scan3A_340, %mul3A_473 : i32
      %add3A_475 = arith.constant 2 : i32
      %add3A_476 = arith.addi %mul3A_474, %add3A_475 : i32
      %swap3A_477 = arith.index_cast %add3A_476 : i32 to index
      %swap3A_478 = arith.constant 48 : index
      %swap3A_479 = tpu.vector_load %arg5[%swap3A_477, %swap3A_478] {strides = array<i32>} : memref<1000x128xf32, #tpu.memory_space<vmem>>, vector<16xf32>,
      tpu.vector_store %arg5[%swap3A_477, %swap3A_478], %broadcast_in_dim3A_6 {strides = array<i32>} : memref<1000x128xf32, #tpu.memory_space<vmem>>, vector<16xf32>,
      %mul3A_480 = arith.constant 4 : i32
      %mul3A_481 = arith.muli %scan3A_340, %mul3A_480 : i32
      %add3A_482 = arith.constant 2 : i32
      %add3A_483 = arith.addi %mul3A_481, %add3A_482 : i32
      %swap3A_484 = arith.index_cast %add3A_483 : i32 to index
      %swap3A_485 = arith.constant 64 : index
      %swap3A_486 = tpu.vector_load %arg5[%swap3A_484, %swap3A_485] {strides = array<i32>} : memref<1000x128xf32, #tpu.memory_space<vmem>>, vector<16xf32>,
      tpu.vector_store %arg5[%swap3A_484, %swap3A_485], %broadcast_in_dim3A_6 {strides = array<i32>} : memref<1000x128xf32, #tpu.memory_space<vmem>>, vector<16xf32>,
      %mul3A_487 = arith.constant 4 : i32
      %mul3A_488 = arith.muli %scan3A_340, %mul3A_487 : i32
      %add3A_489 = arith.constant 2 : i32
      %add3A_490 = arith.addi %mul3A_488, %add3A_489 : i32
      %swap3A_491 = arith.index_cast %add3A_490 : i32 to index
      %swap3A_492 = arith.constant 80 : index
      %swap3A_493 = tpu.vector_load %arg5[%swap3A_491, %swap3A_492] {strides = array<i32>} : memref<1000x128xf32, #tpu.memory_space<vmem>>, vector<16xf32>,
      tpu.vector_store %arg5[%swap3A_491, %swap3A_492], %broadcast_in_dim3A_6 {strides = array<i32>} : memref<1000x128xf32, #tpu.memory_space<vmem>>, vector<16xf32>,
      %mul3A_494 = arith.constant 4 : i32
      %mul3A_495 = arith.muli %scan3A_340, %mul3A_494 : i32
      %add3A_496 = arith.constant 2 : i32
      %add3A_497 = arith.addi %mul3A_495, %add3A_496 : i32
      %swap3A_498 = arith.index_cast %add3A_497 : i32 to index
      %swap3A_499 = arith.constant 96 : index
      %swap3A_500 = tpu.vector_load %arg5[%swap3A_498, %swap3A_499] {strides = array<i32>} : memref<1000x128xf32, #tpu.memory_space<vmem>>, vector<16xf32>,
      tpu.vector_store %arg5[%swap3A_498, %swap3A_499], %broadcast_in_dim3A_6 {strides = array<i32>} : memref<1000x128xf32, #tpu.memory_space<vmem>>, vector<16xf32>,
      %mul3A_501 = arith.constant 4 : i32
      %mul3A_502 = arith.muli %scan3A_340, %mul3A_501 : i32
      %add3A_503 = arith.constant 2 : i32
      %add3A_504 = arith.addi %mul3A_502, %add3A_503 : i32
      %swap3A_505 = arith.index_cast %add3A_504 : i32 to index
      %swap3A_506 = arith.constant 112 : index
      %swap3A_507 = tpu.vector_load %arg5[%swap3A_505, %swap3A_506] {strides = array<i32>} : memref<1000x128xf32, #tpu.memory_space<vmem>>, vector<16xf32>,
      tpu.vector_store %arg5[%swap3A_505, %swap3A_506], %broadcast_in_dim3A_6 {strides = array<i32>} : memref<1000x128xf32, #tpu.memory_space<vmem>>, vector<16xf32>,
      %mul3A_508 = arith.constant 4 : i32
      %mul3A_509 = arith.muli %scan3A_340, %mul3A_508 : i32
      %add3A_510 = arith.constant 3 : i32
      %add3A_511 = arith.addi %mul3A_509, %add3A_510 : i32
      %swap3A_512 = arith.index_cast %add3A_511 : i32 to index
      %swap3A_513 = arith.constant 0 : index
      %swap3A_514 = tpu.vector_load %arg5[%swap3A_512, %swap3A_513] {strides = array<i32>} : memref<1000x128xf32, #tpu.memory_space<vmem>>, vector<16xf32>,
      tpu.vector_store %arg5[%swap3A_512, %swap3A_513], %broadcast_in_dim3A_6 {strides = array<i32>} : memref<1000x128xf32, #tpu.memory_space<vmem>>, vector<16xf32>,
      %mul3A_515 = arith.constant 4 : i32
      %mul3A_516 = arith.muli %scan3A_340, %mul3A_515 : i32
      %add3A_517 = arith.constant 3 : i32
      %add3A_518 = arith.addi %mul3A_516, %add3A_517 : i32
      %swap3A_519 = arith.index_cast %add3A_518 : i32 to index
      %swap3A_520 = arith.constant 16 : index
      %swap3A_521 = tpu.vector_load %arg5[%swap3A_519, %swap3A_520] {strides = array<i32>} : memref<1000x128xf32, #tpu.memory_space<vmem>>, vector<16xf32>,
      tpu.vector_store %arg5[%swap3A_519, %swap3A_520], %broadcast_in_dim3A_6 {strides = array<i32>} : memref<1000x128xf32, #tpu.memory_space<vmem>>, vector<16xf32>,
      %mul3A_522 = arith.constant 4 : i32
      %mul3A_523 = arith.muli %scan3A_340, %mul3A_522 : i32
      %add3A_524 = arith.constant 3 : i32
      %add3A_525 = arith.addi %mul3A_523, %add3A_524 : i32
      %swap3A_526 = arith.index_cast %add3A_525 : i32 to index
      %swap3A_527 = arith.constant 32 : index
      %swap3A_528 = tpu.vector_load %arg5[%swap3A_526, %swap3A_527] {strides = array<i32>} : memref<1000x128xf32, #tpu.memory_space<vmem>>, vector<16xf32>,
      tpu.vector_store %arg5[%swap3A_526, %swap3A_527], %broadcast_in_dim3A_6 {strides = array<i32>} : memref<1000x128xf32, #tpu.memory_space<vmem>>, vector<16xf32>,
      %mul3A_529 = arith.constant 4 : i32
      %mul3A_530 = arith.muli %scan3A_340, %mul3A_529 : i32
      %add3A_531 = arith.constant 3 : i32
      %add3A_532 = arith.addi %mul3A_530, %add3A_531 : i32
      %swap3A_533 = arith.index_cast %add3A_532 : i32 to index
      %swap3A_534 = arith.constant 48 : index
      %swap3A_535 = tpu.vector_load %arg5[%swap3A_533, %swap3A_534] {strides = array<i32>} : memref<1000x128xf32, #tpu.memory_space<vmem>>, vector<16xf32>,
      tpu.vector_store %arg5[%swap3A_533, %swap3A_534], %broadcast_in_dim3A_6 {strides = array<i32>} : memref<1000x128xf32, #tpu.memory_space<vmem>>, vector<16xf32>,
      %mul3A_536 = arith.constant 4 : i32
      %mul3A_537 = arith.muli %scan3A_340, %mul3A_536 : i32
      %add3A_538 = arith.constant 3 : i32
      %add3A_539 = arith.addi %mul3A_537, %add3A_538 : i32
      %swap3A_540 = arith.index_cast %add3A_539 : i32 to index
      %swap3A_541 = arith.constant 64 : index
      %swap3A_542 = tpu.vector_load %arg5[%swap3A_540, %swap3A_541] {strides = array<i32>} : memref<1000x128xf32, #tpu.memory_space<vmem>>, vector<16xf32>,
      tpu.vector_store %arg5[%swap3A_540, %swap3A_541], %broadcast_in_dim3A_6 {strides = array<i32>} : memref<1000x128xf32, #tpu.memory_space<vmem>>, vector<16xf32>,
      %mul3A_543 = arith.constant 4 : i32
      %mul3A_544 = arith.muli %scan3A_340, %mul3A_543 : i32
      %add3A_545 = arith.constant 3 : i32
      %add3A_546 = arith.addi %mul3A_544, %add3A_545 : i32
      %swap3A_547 = arith.index_cast %add3A_546 : i32 to index
      %swap3A_548 = arith.constant 80 : index
      %swap3A_549 = tpu.vector_load %arg5[%swap3A_547, %swap3A_548] {strides = array<i32>} : memref<1000x128xf32, #tpu.memory_space<vmem>>, vector<16xf32>,
      tpu.vector_store %arg5[%swap3A_547, %swap3A_548], %broadcast_in_dim3A_6 {strides = array<i32>} : memref<1000x128xf32, #tpu.memory_space<vmem>>, vector<16xf32>,
      %mul3A_550 = arith.constant 4 : i32
      %mul3A_551 = arith.muli %scan3A_340, %mul3A_550 : i32
      %add3A_552 = arith.constant 3 : i32
      %add3A_553 = arith.addi %mul3A_551, %add3A_552 : i32
      %swap3A_554 = arith.index_cast %add3A_553 : i32 to index
      %swap3A_555 = arith.constant 96 : index
      %swap3A_556 = tpu.vector_load %arg5[%swap3A_554, %swap3A_555] {strides = array<i32>} : memref<1000x128xf32, #tpu.memory_space<vmem>>, vector<16xf32>,
      tpu.vector_store %arg5[%swap3A_554, %swap3A_555], %broadcast_in_dim3A_6 {strides = array<i32>} : memref<1000x128xf32, #tpu.memory_space<vmem>>, vector<16xf32>,
      %mul3A_557 = arith.constant 4 : i32
      %mul3A_558 = arith.muli %scan3A_340, %mul3A_557 : i32
      %add3A_559 = arith.constant 3 : i32
      %add3A_560 = arith.addi %mul3A_558, %add3A_559 : i32
      %swap3A_561 = arith.index_cast %add3A_560 : i32 to index
      %swap3A_562 = arith.constant 112 : index
      %swap3A_563 = tpu.vector_load %arg5[%swap3A_561, %swap3A_562] {strides = array<i32>} : memref<1000x128xf32, #tpu.memory_space<vmem>>, vector<16xf32>,
      tpu.vector_store %arg5[%swap3A_561, %swap3A_562], %broadcast_in_dim3A_6 {strides = array<i32>} : memref<1000x128xf32, #tpu.memory_space<vmem>>, vector<16xf32>,
    }
    %scan3A_11 = arith.constant 250 : i32
    %dma_wait3A = tpu.memref_slice %arg2[%mul3A_2] : memref<16384xi32, #tpu.memory_space<hbm>> -> memref<512xi32, #tpu.memory_space<hbm>>
    %dma_wait3A_12 = tpu.memref_slice %arg2[%mul3A_2] : memref<16384xi32, #tpu.memory_space<hbm>> -> memref<512xi32, #tpu.memory_space<hbm>>
    tpu.wait_dma2 semaphore(%arg7 : memref<!tpu.dma_semaphore, #tpu.memory_space<semaphore_mem>>) src(%dma_wait3A_12 : memref<512xi32, #tpu.memory_space<hbm>>) dst(%arg4 : memref<512xi32, #tpu.memory_space<vmem>>)
    %add3A_13 = arith.constant 0 : i32
    %add3A_14 = vector.broadcast %add3A_13 : i32 to vector<16xi32>
    %add3A_15 = arith.addi %iota3A, %add3A_14 : vector<16xi32>
    %get3A = arith.constant 0 : index
    %get3A_16 = tpu.vector_load %arg4[%get3A] {strides = array<i32>} : memref<512xi32, #tpu.memory_space<vmem>>, vector<16xi32>,
    tpu.vector_store_idx %arg5[%get3A_16, %add3A_15], %broadcast_in_dim3A_4 : memref<1000x128xf32, #tpu.memory_space<vmem>>[vector<16xi32>, vector<16xi32>], vector<16xf32>,
    %add3A_17 = arith.constant 16 : i32
    %add3A_18 = vector.broadcast %add3A_17 : i32 to vector<16xi32>
    %add3A_19 = arith.addi %iota3A, %add3A_18 : vector<16xi32>
    %get3A_20 = arith.constant 16 : index
    %get3A_21 = tpu.vector_load %arg4[%get3A_20] {strides = array<i32>} : memref<512xi32, #tpu.memory_space<vmem>>, vector<16xi32>,
    tpu.vector_store_idx %arg5[%get3A_21, %add3A_19], %broadcast_in_dim3A_4 : memref<1000x128xf32, #tpu.memory_space<vmem>>[vector<16xi32>, vector<16xi32>], vector<16xf32>,
    %add3A_22 = arith.constant 32 : i32
    %add3A_23 = vector.broadcast %add3A_22 : i32 to vector<16xi32>
    %add3A_24 = arith.addi %iota3A, %add3A_23 : vector<16xi32>
    %get3A_25 = arith.constant 32 : index
    %get3A_26 = tpu.vector_load %arg4[%get3A_25] {strides = array<i32>} : memref<512xi32, #tpu.memory_space<vmem>>, vector<16xi32>,
    tpu.vector_store_idx %arg5[%get3A_26, %add3A_24], %broadcast_in_dim3A_4 : memref<1000x128xf32, #tpu.memory_space<vmem>>[vector<16xi32>, vector<16xi32>], vector<16xf32>,
    %add3A_27 = arith.constant 48 : i32
    %add3A_28 = vector.broadcast %add3A_27 : i32 to vector<16xi32>
    %add3A_29 = arith.addi %iota3A, %add3A_28 : vector<16xi32>
    %get3A_30 = arith.constant 48 : index
    %get3A_31 = tpu.vector_load %arg4[%get3A_30] {strides = array<i32>} : memref<512xi32, #tpu.memory_space<vmem>>, vector<16xi32>,
    tpu.vector_store_idx %arg5[%get3A_31, %add3A_29], %broadcast_in_dim3A_4 : memref<1000x128xf32, #tpu.memory_space<vmem>>[vector<16xi32>, vector<16xi32>], vector<16xf32>,
    %add3A_32 = arith.constant 64 : i32
    %add3A_33 = vector.broadcast %add3A_32 : i32 to vector<16xi32>
    %add3A_34 = arith.addi %iota3A, %add3A_33 : vector<16xi32>
    %get3A_35 = arith.constant 64 : index
    %get3A_36 = tpu.vector_load %arg4[%get3A_35] {strides = array<i32>} : memref<512xi32, #tpu.memory_space<vmem>>, vector<16xi32>,
    tpu.vector_store_idx %arg5[%get3A_36, %add3A_34], %broadcast_in_dim3A_4 : memref<1000x128xf32, #tpu.memory_space<vmem>>[vector<16xi32>, vector<16xi32>], vector<16xf32>,
    %add3A_37 = arith.constant 80 : i32
    %add3A_38 = vector.broadcast %add3A_37 : i32 to vector<16xi32>
    %add3A_39 = arith.addi %iota3A, %add3A_38 : vector<16xi32>
    %get3A_40 = arith.constant 80 : index
    %get3A_41 = tpu.vector_load %arg4[%get3A_40] {strides = array<i32>} : memref<512xi32, #tpu.memory_space<vmem>>, vector<16xi32>,
    tpu.vector_store_idx %arg5[%get3A_41, %add3A_39], %broadcast_in_dim3A_4 : memref<1000x128xf32, #tpu.memory_space<vmem>>[vector<16xi32>, vector<16xi32>], vector<16xf32>,
    %add3A_42 = arith.constant 96 : i32
    %add3A_43 = vector.broadcast %add3A_42 : i32 to vector<16xi32>
    %add3A_44 = arith.addi %iota3A, %add3A_43 : vector<16xi32>
    %get3A_45 = arith.constant 96 : index
    %get3A_46 = tpu.vector_load %arg4[%get3A_45] {strides = array<i32>} : memref<512xi32, #tpu.memory_space<vmem>>, vector<16xi32>,
    tpu.vector_store_idx %arg5[%get3A_46, %add3A_44], %broadcast_in_dim3A_4 : memref<1000x128xf32, #tpu.memory_space<vmem>>[vector<16xi32>, vector<16xi32>], vector<16xf32>,
    %add3A_47 = arith.constant 112 : i32
    %add3A_48 = vector.broadcast %add3A_47 : i32 to vector<16xi32>
    %add3A_49 = arith.addi %iota3A, %add3A_48 : vector<16xi32>
    %get3A_50 = arith.constant 112 : index
    %get3A_51 = tpu.vector_load %arg4[%get3A_50] {strides = array<i32>} : memref<512xi32, #tpu.memory_space<vmem>>, vector<16xi32>,
    tpu.vector_store_idx %arg5[%get3A_51, %add3A_49], %broadcast_in_dim3A_4 : memref<1000x128xf32, #tpu.memory_space<vmem>>[vector<16xi32>, vector<16xi32>], vector<16xf32>,
    %add3A_52 = arith.constant 0 : i32
    %add3A_53 = arith.addi %mul3A_2, %add3A_52 : i32
    %dma_start3A_54 = arith.constant 0 : i32
    %dma_start3A_55 = tpu.memref_slice %arg3[%dma_start3A_54, %add3A_53] : memref<1000x16384xf32, #tpu.memory_space<hbm>> -> memref<1000x128xf32, #tpu.memory_space<hbm>>
    %dma_start3A_56 = arith.constant 0 : i32
    %dma_start3A_57 = tpu.memref_slice %arg3[%dma_start3A_56, %add3A_53] : memref<1000x16384xf32, #tpu.memory_space<hbm>> -> memref<1000x128xf32, #tpu.memory_space<hbm>>
    tpu.enqueue_dma source(%arg5 : memref<1000x128xf32, #tpu.memory_space<vmem>>) target(%dma_start3A_57 : memref<1000x128xf32, #tpu.memory_space<hbm>>) target_semaphore(%arg6 : memref<!tpu.dma_semaphore, #tpu.memory_space<semaphore_mem>>)
    %add3A_58 = arith.constant 0 : i32
    %add3A_59 = arith.addi %mul3A_2, %add3A_58 : i32
    %dma_wait3A_60 = arith.constant 0 : i32
    %dma_wait3A_61 = tpu.memref_slice %arg3[%dma_wait3A_60, %add3A_59] : memref<1000x16384xf32, #tpu.memory_space<hbm>> -> memref<1000x128xf32, #tpu.memory_space<hbm>>
    %dma_wait3A_62 = arith.constant 0 : i32
    %dma_wait3A_63 = tpu.memref_slice %arg3[%dma_wait3A_62, %add3A_59] : memref<1000x16384xf32, #tpu.memory_space<hbm>> -> memref<1000x128xf32, #tpu.memory_space<hbm>>
    tpu.wait_dma2 semaphore(%arg6 : memref<!tpu.dma_semaphore, #tpu.memory_space<semaphore_mem>>) src(%arg5 : memref<1000x128xf32, #tpu.memory_space<vmem>>) dst(%dma_wait3A_63 : memref<1000x128xf32, #tpu.memory_space<hbm>>)
    %add3A_64 = arith.constant 0 : i32
    %add3A_65 = vector.broadcast %add3A_64 : i32 to vector<16xi32>
    %add3A_66 = arith.addi %iota3A, %add3A_65 : vector<16xi32>
    %get3A_67 = arith.constant 0 : index
    %get3A_68 = tpu.vector_load %arg4[%get3A_67] {strides = array<i32>} : memref<512xi32, #tpu.memory_space<vmem>>, vector<16xi32>,
    tpu.vector_store_idx %arg5[%get3A_68, %add3A_66], %broadcast_in_dim3A_6 : memref<1000x128xf32, #tpu.memory_space<vmem>>[vector<16xi32>, vector<16xi32>], vector<16xf32>,
    %add3A_69 = arith.constant 16 : i32
    %add3A_70 = vector.broadcast %add3A_69 : i32 to vector<16xi32>
    %add3A_71 = arith.addi %iota3A, %add3A_70 : vector<16xi32>
    %get3A_72 = arith.constant 16 : index
    %get3A_73 = tpu.vector_load %arg4[%get3A_72] {strides = array<i32>} : memref<512xi32, #tpu.memory_space<vmem>>, vector<16xi32>,
    tpu.vector_store_idx %arg5[%get3A_73, %add3A_71], %broadcast_in_dim3A_6 : memref<1000x128xf32, #tpu.memory_space<vmem>>[vector<16xi32>, vector<16xi32>], vector<16xf32>,
    %add3A_74 = arith.constant 32 : i32
    %add3A_75 = vector.broadcast %add3A_74 : i32 to vector<16xi32>
    %add3A_76 = arith.addi %iota3A, %add3A_75 : vector<16xi32>
    %get3A_77 = arith.constant 32 : index
    %get3A_78 = tpu.vector_load %arg4[%get3A_77] {strides = array<i32>} : memref<512xi32, #tpu.memory_space<vmem>>, vector<16xi32>,
    tpu.vector_store_idx %arg5[%get3A_78, %add3A_76], %broadcast_in_dim3A_6 : memref<1000x128xf32, #tpu.memory_space<vmem>>[vector<16xi32>, vector<16xi32>], vector<16xf32>,
    %add3A_79 = arith.constant 48 : i32
    %add3A_80 = vector.broadcast %add3A_79 : i32 to vector<16xi32>
    %add3A_81 = arith.addi %iota3A, %add3A_80 : vector<16xi32>
    %get3A_82 = arith.constant 48 : index
    %get3A_83 = tpu.vector_load %arg4[%get3A_82] {strides = array<i32>} : memref<512xi32, #tpu.memory_space<vmem>>, vector<16xi32>,
    tpu.vector_store_idx %arg5[%get3A_83, %add3A_81], %broadcast_in_dim3A_6 : memref<1000x128xf32, #tpu.memory_space<vmem>>[vector<16xi32>, vector<16xi32>], vector<16xf32>,
    %add3A_84 = arith.constant 64 : i32
    %add3A_85 = vector.broadcast %add3A_84 : i32 to vector<16xi32>
    %add3A_86 = arith.addi %iota3A, %add3A_85 : vector<16xi32>
    %get3A_87 = arith.constant 64 : index
    %get3A_88 = tpu.vector_load %arg4[%get3A_87] {strides = array<i32>} : memref<512xi32, #tpu.memory_space<vmem>>, vector<16xi32>,
    tpu.vector_store_idx %arg5[%get3A_88, %add3A_86], %broadcast_in_dim3A_6 : memref<1000x128xf32, #tpu.memory_space<vmem>>[vector<16xi32>, vector<16xi32>], vector<16xf32>,
    %add3A_89 = arith.constant 80 : i32
    %add3A_90 = vector.broadcast %add3A_89 : i32 to vector<16xi32>
    %add3A_91 = arith.addi %iota3A, %add3A_90 : vector<16xi32>
    %get3A_92 = arith.constant 80 : index
    %get3A_93 = tpu.vector_load %arg4[%get3A_92] {strides = array<i32>} : memref<512xi32, #tpu.memory_space<vmem>>, vector<16xi32>,
    tpu.vector_store_idx %arg5[%get3A_93, %add3A_91], %broadcast_in_dim3A_6 : memref<1000x128xf32, #tpu.memory_space<vmem>>[vector<16xi32>, vector<16xi32>], vector<16xf32>,
    %add3A_94 = arith.constant 96 : i32
    %add3A_95 = vector.broadcast %add3A_94 : i32 to vector<16xi32>
    %add3A_96 = arith.addi %iota3A, %add3A_95 : vector<16xi32>
    %get3A_97 = arith.constant 96 : index
    %get3A_98 = tpu.vector_load %arg4[%get3A_97] {strides = array<i32>} : memref<512xi32, #tpu.memory_space<vmem>>, vector<16xi32>,
    tpu.vector_store_idx %arg5[%get3A_98, %add3A_96], %broadcast_in_dim3A_6 : memref<1000x128xf32, #tpu.memory_space<vmem>>[vector<16xi32>, vector<16xi32>], vector<16xf32>,
    %add3A_99 = arith.constant 112 : i32
    %add3A_100 = vector.broadcast %add3A_99 : i32 to vector<16xi32>
    %add3A_101 = arith.addi %iota3A, %add3A_100 : vector<16xi32>
    %get3A_102 = arith.constant 112 : index
    %get3A_103 = tpu.vector_load %arg4[%get3A_102] {strides = array<i32>} : memref<512xi32, #tpu.memory_space<vmem>>, vector<16xi32>,
    tpu.vector_store_idx %arg5[%get3A_103, %add3A_101], %broadcast_in_dim3A_6 : memref<1000x128xf32, #tpu.memory_space<vmem>>[vector<16xi32>, vector<16xi32>], vector<16xf32>,
    %add3A_104 = arith.constant 0 : i32
    %add3A_105 = vector.broadcast %add3A_104 : i32 to vector<16xi32>
    %add3A_106 = arith.addi %iota3A, %add3A_105 : vector<16xi32>
    %get3A_107 = arith.constant 128 : index
    %get3A_108 = tpu.vector_load %arg4[%get3A_107] {strides = array<i32>} : memref<512xi32, #tpu.memory_space<vmem>>, vector<16xi32>,
    tpu.vector_store_idx %arg5[%get3A_108, %add3A_106], %broadcast_in_dim3A_4 : memref<1000x128xf32, #tpu.memory_space<vmem>>[vector<16xi32>, vector<16xi32>], vector<16xf32>,
    %add3A_109 = arith.constant 16 : i32
    %add3A_110 = vector.broadcast %add3A_109 : i32 to vector<16xi32>
    %add3A_111 = arith.addi %iota3A, %add3A_110 : vector<16xi32>
    %get3A_112 = arith.constant 144 : index
    %get3A_113 = tpu.vector_load %arg4[%get3A_112] {strides = array<i32>} : memref<512xi32, #tpu.memory_space<vmem>>, vector<16xi32>,
    tpu.vector_store_idx %arg5[%get3A_113, %add3A_111], %broadcast_in_dim3A_4 : memref<1000x128xf32, #tpu.memory_space<vmem>>[vector<16xi32>, vector<16xi32>], vector<16xf32>,
    %add3A_114 = arith.constant 32 : i32
    %add3A_115 = vector.broadcast %add3A_114 : i32 to vector<16xi32>
    %add3A_116 = arith.addi %iota3A, %add3A_115 : vector<16xi32>
    %get3A_117 = arith.constant 160 : index
    %get3A_118 = tpu.vector_load %arg4[%get3A_117] {strides = array<i32>} : memref<512xi32, #tpu.memory_space<vmem>>, vector<16xi32>,
    tpu.vector_store_idx %arg5[%get3A_118, %add3A_116], %broadcast_in_dim3A_4 : memref<1000x128xf32, #tpu.memory_space<vmem>>[vector<16xi32>, vector<16xi32>], vector<16xf32>,
    %add3A_119 = arith.constant 48 : i32
    %add3A_120 = vector.broadcast %add3A_119 : i32 to vector<16xi32>
    %add3A_121 = arith.addi %iota3A, %add3A_120 : vector<16xi32>
    %get3A_122 = arith.constant 176 : index
    %get3A_123 = tpu.vector_load %arg4[%get3A_122] {strides = array<i32>} : memref<512xi32, #tpu.memory_space<vmem>>, vector<16xi32>,
    tpu.vector_store_idx %arg5[%get3A_123, %add3A_121], %broadcast_in_dim3A_4 : memref<1000x128xf32, #tpu.memory_space<vmem>>[vector<16xi32>, vector<16xi32>], vector<16xf32>,
    %add3A_124 = arith.constant 64 : i32
    %add3A_125 = vector.broadcast %add3A_124 : i32 to vector<16xi32>
    %add3A_126 = arith.addi %iota3A, %add3A_125 : vector<16xi32>
    %get3A_127 = arith.constant 192 : index
    %get3A_128 = tpu.vector_load %arg4[%get3A_127] {strides = array<i32>} : memref<512xi32, #tpu.memory_space<vmem>>, vector<16xi32>,
    tpu.vector_store_idx %arg5[%get3A_128, %add3A_126], %broadcast_in_dim3A_4 : memref<1000x128xf32, #tpu.memory_space<vmem>>[vector<16xi32>, vector<16xi32>], vector<16xf32>,
    %add3A_129 = arith.constant 80 : i32
    %add3A_130 = vector.broadcast %add3A_129 : i32 to vector<16xi32>
    %add3A_131 = arith.addi %iota3A, %add3A_130 : vector<16xi32>
    %get3A_132 = arith.constant 208 : index
    %get3A_133 = tpu.vector_load %arg4[%get3A_132] {strides = array<i32>} : memref<512xi32, #tpu.memory_space<vmem>>, vector<16xi32>,
    tpu.vector_store_idx %arg5[%get3A_133, %add3A_131], %broadcast_in_dim3A_4 : memref<1000x128xf32, #tpu.memory_space<vmem>>[vector<16xi32>, vector<16xi32>], vector<16xf32>,
    %add3A_134 = arith.constant 96 : i32
    %add3A_135 = vector.broadcast %add3A_134 : i32 to vector<16xi32>
    %add3A_136 = arith.addi %iota3A, %add3A_135 : vector<16xi32>
    %get3A_137 = arith.constant 224 : index
    %get3A_138 = tpu.vector_load %arg4[%get3A_137] {strides = array<i32>} : memref<512xi32, #tpu.memory_space<vmem>>, vector<16xi32>,
    tpu.vector_store_idx %arg5[%get3A_138, %add3A_136], %broadcast_in_dim3A_4 : memref<1000x128xf32, #tpu.memory_space<vmem>>[vector<16xi32>, vector<16xi32>], vector<16xf32>,
    %add3A_139 = arith.constant 112 : i32
    %add3A_140 = vector.broadcast %add3A_139 : i32 to vector<16xi32>
    %add3A_141 = arith.addi %iota3A, %add3A_140 : vector<16xi32>
    %get3A_142 = arith.constant 240 : index
    %get3A_143 = tpu.vector_load %arg4[%get3A_142] {strides = array<i32>} : memref<512xi32, #tpu.memory_space<vmem>>, vector<16xi32>,
    tpu.vector_store_idx %arg5[%get3A_143, %add3A_141], %broadcast_in_dim3A_4 : memref<1000x128xf32, #tpu.memory_space<vmem>>[vector<16xi32>, vector<16xi32>], vector<16xf32>,
    %add3A_144 = arith.constant 128 : i32
    %add3A_145 = arith.addi %mul3A_2, %add3A_144 : i32
    %dma_start3A_146 = arith.constant 0 : i32
    %dma_start3A_147 = tpu.memref_slice %arg3[%dma_start3A_146, %add3A_145] : memref<1000x16384xf32, #tpu.memory_space<hbm>> -> memref<1000x128xf32, #tpu.memory_space<hbm>>
    %dma_start3A_148 = arith.constant 0 : i32
    %dma_start3A_149 = tpu.memref_slice %arg3[%dma_start3A_148, %add3A_145] : memref<1000x16384xf32, #tpu.memory_space<hbm>> -> memref<1000x128xf32, #tpu.memory_space<hbm>>
    tpu.enqueue_dma source(%arg5 : memref<1000x128xf32, #tpu.memory_space<vmem>>) target(%dma_start3A_149 : memref<1000x128xf32, #tpu.memory_space<hbm>>) target_semaphore(%arg6 : memref<!tpu.dma_semaphore, #tpu.memory_space<semaphore_mem>>)
    %add3A_150 = arith.constant 128 : i32
    %add3A_151 = arith.addi %mul3A_2, %add3A_150 : i32
    %dma_wait3A_152 = arith.constant 0 : i32
    %dma_wait3A_153 = tpu.memref_slice %arg3[%dma_wait3A_152, %add3A_151] : memref<1000x16384xf32, #tpu.memory_space<hbm>> -> memref<1000x128xf32, #tpu.memory_space<hbm>>
    %dma_wait3A_154 = arith.constant 0 : i32
    %dma_wait3A_155 = tpu.memref_slice %arg3[%dma_wait3A_154, %add3A_151] : memref<1000x16384xf32, #tpu.memory_space<hbm>> -> memref<1000x128xf32, #tpu.memory_space<hbm>>
    tpu.wait_dma2 semaphore(%arg6 : memref<!tpu.dma_semaphore, #tpu.memory_space<semaphore_mem>>) src(%arg5 : memref<1000x128xf32, #tpu.memory_space<vmem>>) dst(%dma_wait3A_155 : memref<1000x128xf32, #tpu.memory_space<hbm>>)
    %add3A_156 = arith.constant 0 : i32
    %add3A_157 = vector.broadcast %add3A_156 : i32 to vector<16xi32>
    %add3A_158 = arith.addi %iota3A, %add3A_157 : vector<16xi32>
    %get3A_159 = arith.constant 128 : index
    %get3A_160 = tpu.vector_load %arg4[%get3A_159] {strides = array<i32>} : memref<512xi32, #tpu.memory_space<vmem>>, vector<16xi32>,
    tpu.vector_store_idx %arg5[%get3A_160, %add3A_158], %broadcast_in_dim3A_6 : memref<1000x128xf32, #tpu.memory_space<vmem>>[vector<16xi32>, vector<16xi32>], vector<16xf32>,
    %add3A_161 = arith.constant 16 : i32
    %add3A_162 = vector.broadcast %add3A_161 : i32 to vector<16xi32>
    %add3A_163 = arith.addi %iota3A, %add3A_162 : vector<16xi32>
    %get3A_164 = arith.constant 144 : index
    %get3A_165 = tpu.vector_load %arg4[%get3A_164] {strides = array<i32>} : memref<512xi32, #tpu.memory_space<vmem>>, vector<16xi32>,
    tpu.vector_store_idx %arg5[%get3A_165, %add3A_163], %broadcast_in_dim3A_6 : memref<1000x128xf32, #tpu.memory_space<vmem>>[vector<16xi32>, vector<16xi32>], vector<16xf32>,
    %add3A_166 = arith.constant 32 : i32
    %add3A_167 = vector.broadcast %add3A_166 : i32 to vector<16xi32>
    %add3A_168 = arith.addi %iota3A, %add3A_167 : vector<16xi32>
    %get3A_169 = arith.constant 160 : index
    %get3A_170 = tpu.vector_load %arg4[%get3A_169] {strides = array<i32>} : memref<512xi32, #tpu.memory_space<vmem>>, vector<16xi32>,
    tpu.vector_store_idx %arg5[%get3A_170, %add3A_168], %broadcast_in_dim3A_6 : memref<1000x128xf32, #tpu.memory_space<vmem>>[vector<16xi32>, vector<16xi32>], vector<16xf32>,
    %add3A_171 = arith.constant 48 : i32
    %add3A_172 = vector.broadcast %add3A_171 : i32 to vector<16xi32>
    %add3A_173 = arith.addi %iota3A, %add3A_172 : vector<16xi32>
    %get3A_174 = arith.constant 176 : index
    %get3A_175 = tpu.vector_load %arg4[%get3A_174] {strides = array<i32>} : memref<512xi32, #tpu.memory_space<vmem>>, vector<16xi32>,
    tpu.vector_store_idx %arg5[%get3A_175, %add3A_173], %broadcast_in_dim3A_6 : memref<1000x128xf32, #tpu.memory_space<vmem>>[vector<16xi32>, vector<16xi32>], vector<16xf32>,
    %add3A_176 = arith.constant 64 : i32
    %add3A_177 = vector.broadcast %add3A_176 : i32 to vector<16xi32>
    %add3A_178 = arith.addi %iota3A, %add3A_177 : vector<16xi32>
    %get3A_179 = arith.constant 192 : index
    %get3A_180 = tpu.vector_load %arg4[%get3A_179] {strides = array<i32>} : memref<512xi32, #tpu.memory_space<vmem>>, vector<16xi32>,
    tpu.vector_store_idx %arg5[%get3A_180, %add3A_178], %broadcast_in_dim3A_6 : memref<1000x128xf32, #tpu.memory_space<vmem>>[vector<16xi32>, vector<16xi32>], vector<16xf32>,
    %add3A_181 = arith.constant 80 : i32
    %add3A_182 = vector.broadcast %add3A_181 : i32 to vector<16xi32>
    %add3A_183 = arith.addi %iota3A, %add3A_182 : vector<16xi32>
    %get3A_184 = arith.constant 208 : index
    %get3A_185 = tpu.vector_load %arg4[%get3A_184] {strides = array<i32>} : memref<512xi32, #tpu.memory_space<vmem>>, vector<16xi32>,
    tpu.vector_store_idx %arg5[%get3A_185, %add3A_183], %broadcast_in_dim3A_6 : memref<1000x128xf32, #tpu.memory_space<vmem>>[vector<16xi32>, vector<16xi32>], vector<16xf32>,
    %add3A_186 = arith.constant 96 : i32
    %add3A_187 = vector.broadcast %add3A_186 : i32 to vector<16xi32>
    %add3A_188 = arith.addi %iota3A, %add3A_187 : vector<16xi32>
    %get3A_189 = arith.constant 224 : index
    %get3A_190 = tpu.vector_load %arg4[%get3A_189] {strides = array<i32>} : memref<512xi32, #tpu.memory_space<vmem>>, vector<16xi32>,
    tpu.vector_store_idx %arg5[%get3A_190, %add3A_188], %broadcast_in_dim3A_6 : memref<1000x128xf32, #tpu.memory_space<vmem>>[vector<16xi32>, vector<16xi32>], vector<16xf32>,
    %add3A_191 = arith.constant 112 : i32
    %add3A_192 = vector.broadcast %add3A_191 : i32 to vector<16xi32>
    %add3A_193 = arith.addi %iota3A, %add3A_192 : vector<16xi32>
    %get3A_194 = arith.constant 240 : index
    %get3A_195 = tpu.vector_load %arg4[%get3A_194] {strides = array<i32>} : memref<512xi32, #tpu.memory_space<vmem>>, vector<16xi32>,
    tpu.vector_store_idx %arg5[%get3A_195, %add3A_193], %broadcast_in_dim3A_6 : memref<1000x128xf32, #tpu.memory_space<vmem>>[vector<16xi32>, vector<16xi32>], vector<16xf32>,
    %add3A_196 = arith.constant 0 : i32
    %add3A_197 = vector.broadcast %add3A_196 : i32 to vector<16xi32>
    %add3A_198 = arith.addi %iota3A, %add3A_197 : vector<16xi32>
    %get3A_199 = arith.constant 256 : index
    %get3A_200 = tpu.vector_load %arg4[%get3A_199] {strides = array<i32>} : memref<512xi32, #tpu.memory_space<vmem>>, vector<16xi32>,
    tpu.vector_store_idx %arg5[%get3A_200, %add3A_198], %broadcast_in_dim3A_4 : memref<1000x128xf32, #tpu.memory_space<vmem>>[vector<16xi32>, vector<16xi32>], vector<16xf32>,
    %add3A_201 = arith.constant 16 : i32
    %add3A_202 = vector.broadcast %add3A_201 : i32 to vector<16xi32>
    %add3A_203 = arith.addi %iota3A, %add3A_202 : vector<16xi32>
    %get3A_204 = arith.constant 272 : index
    %get3A_205 = tpu.vector_load %arg4[%get3A_204] {strides = array<i32>} : memref<512xi32, #tpu.memory_space<vmem>>, vector<16xi32>,
    tpu.vector_store_idx %arg5[%get3A_205, %add3A_203], %broadcast_in_dim3A_4 : memref<1000x128xf32, #tpu.memory_space<vmem>>[vector<16xi32>, vector<16xi32>], vector<16xf32>,
    %add3A_206 = arith.constant 32 : i32
    %add3A_207 = vector.broadcast %add3A_206 : i32 to vector<16xi32>
    %add3A_208 = arith.addi %iota3A, %add3A_207 : vector<16xi32>
    %get3A_209 = arith.constant 288 : index
    %get3A_210 = tpu.vector_load %arg4[%get3A_209] {strides = array<i32>} : memref<512xi32, #tpu.memory_space<vmem>>, vector<16xi32>,
    tpu.vector_store_idx %arg5[%get3A_210, %add3A_208], %broadcast_in_dim3A_4 : memref<1000x128xf32, #tpu.memory_space<vmem>>[vector<16xi32>, vector<16xi32>], vector<16xf32>,
    %add3A_211 = arith.constant 48 : i32
    %add3A_212 = vector.broadcast %add3A_211 : i32 to vector<16xi32>
    %add3A_213 = arith.addi %iota3A, %add3A_212 : vector<16xi32>
    %get3A_214 = arith.constant 304 : index
    %get3A_215 = tpu.vector_load %arg4[%get3A_214] {strides = array<i32>} : memref<512xi32, #tpu.memory_space<vmem>>, vector<16xi32>,
    tpu.vector_store_idx %arg5[%get3A_215, %add3A_213], %broadcast_in_dim3A_4 : memref<1000x128xf32, #tpu.memory_space<vmem>>[vector<16xi32>, vector<16xi32>], vector<16xf32>,
    %add3A_216 = arith.constant 64 : i32
    %add3A_217 = vector.broadcast %add3A_216 : i32 to vector<16xi32>
    %add3A_218 = arith.addi %iota3A, %add3A_217 : vector<16xi32>
    %get3A_219 = arith.constant 320 : index
    %get3A_220 = tpu.vector_load %arg4[%get3A_219] {strides = array<i32>} : memref<512xi32, #tpu.memory_space<vmem>>, vector<16xi32>,
    tpu.vector_store_idx %arg5[%get3A_220, %add3A_218], %broadcast_in_dim3A_4 : memref<1000x128xf32, #tpu.memory_space<vmem>>[vector<16xi32>, vector<16xi32>], vector<16xf32>,
    %add3A_221 = arith.constant 80 : i32
    %add3A_222 = vector.broadcast %add3A_221 : i32 to vector<16xi32>
    %add3A_223 = arith.addi %iota3A, %add3A_222 : vector<16xi32>
    %get3A_224 = arith.constant 336 : index
    %get3A_225 = tpu.vector_load %arg4[%get3A_224] {strides = array<i32>} : memref<512xi32, #tpu.memory_space<vmem>>, vector<16xi32>,
    tpu.vector_store_idx %arg5[%get3A_225, %add3A_223], %broadcast_in_dim3A_4 : memref<1000x128xf32, #tpu.memory_space<vmem>>[vector<16xi32>, vector<16xi32>], vector<16xf32>,
    %add3A_226 = arith.constant 96 : i32
    %add3A_227 = vector.broadcast %add3A_226 : i32 to vector<16xi32>
    %add3A_228 = arith.addi %iota3A, %add3A_227 : vector<16xi32>
    %get3A_229 = arith.constant 352 : index
    %get3A_230 = tpu.vector_load %arg4[%get3A_229] {strides = array<i32>} : memref<512xi32, #tpu.memory_space<vmem>>, vector<16xi32>,
    tpu.vector_store_idx %arg5[%get3A_230, %add3A_228], %broadcast_in_dim3A_4 : memref<1000x128xf32, #tpu.memory_space<vmem>>[vector<16xi32>, vector<16xi32>], vector<16xf32>,
    %add3A_231 = arith.constant 112 : i32
    %add3A_232 = vector.broadcast %add3A_231 : i32 to vector<16xi32>
    %add3A_233 = arith.addi %iota3A, %add3A_232 : vector<16xi32>
    %get3A_234 = arith.constant 368 : index
    %get3A_235 = tpu.vector_load %arg4[%get3A_234] {strides = array<i32>} : memref<512xi32, #tpu.memory_space<vmem>>, vector<16xi32>,
    tpu.vector_store_idx %arg5[%get3A_235, %add3A_233], %broadcast_in_dim3A_4 : memref<1000x128xf32, #tpu.memory_space<vmem>>[vector<16xi32>, vector<16xi32>], vector<16xf32>,
    %add3A_236 = arith.constant 256 : i32
    %add3A_237 = arith.addi %mul3A_2, %add3A_236 : i32
    %dma_start3A_238 = arith.constant 0 : i32
    %dma_start3A_239 = tpu.memref_slice %arg3[%dma_start3A_238, %add3A_237] : memref<1000x16384xf32, #tpu.memory_space<hbm>> -> memref<1000x128xf32, #tpu.memory_space<hbm>>
    %dma_start3A_240 = arith.constant 0 : i32
    %dma_start3A_241 = tpu.memref_slice %arg3[%dma_start3A_240, %add3A_237] : memref<1000x16384xf32, #tpu.memory_space<hbm>> -> memref<1000x128xf32, #tpu.memory_space<hbm>>
    tpu.enqueue_dma source(%arg5 : memref<1000x128xf32, #tpu.memory_space<vmem>>) target(%dma_start3A_241 : memref<1000x128xf32, #tpu.memory_space<hbm>>) target_semaphore(%arg6 : memref<!tpu.dma_semaphore, #tpu.memory_space<semaphore_mem>>)
    %add3A_242 = arith.constant 256 : i32
    %add3A_243 = arith.addi %mul3A_2, %add3A_242 : i32
    %dma_wait3A_244 = arith.constant 0 : i32
    %dma_wait3A_245 = tpu.memref_slice %arg3[%dma_wait3A_244, %add3A_243] : memref<1000x16384xf32, #tpu.memory_space<hbm>> -> memref<1000x128xf32, #tpu.memory_space<hbm>>
    %dma_wait3A_246 = arith.constant 0 : i32
    %dma_wait3A_247 = tpu.memref_slice %arg3[%dma_wait3A_246, %add3A_243] : memref<1000x16384xf32, #tpu.memory_space<hbm>> -> memref<1000x128xf32, #tpu.memory_space<hbm>>
    tpu.wait_dma2 semaphore(%arg6 : memref<!tpu.dma_semaphore, #tpu.memory_space<semaphore_mem>>) src(%arg5 : memref<1000x128xf32, #tpu.memory_space<vmem>>) dst(%dma_wait3A_247 : memref<1000x128xf32, #tpu.memory_space<hbm>>)
    %add3A_248 = arith.constant 0 : i32
    %add3A_249 = vector.broadcast %add3A_248 : i32 to vector<16xi32>
    %add3A_250 = arith.addi %iota3A, %add3A_249 : vector<16xi32>
    %get3A_251 = arith.constant 256 : index
    %get3A_252 = tpu.vector_load %arg4[%get3A_251] {strides = array<i32>} : memref<512xi32, #tpu.memory_space<vmem>>, vector<16xi32>,
    tpu.vector_store_idx %arg5[%get3A_252, %add3A_250], %broadcast_in_dim3A_6 : memref<1000x128xf32, #tpu.memory_space<vmem>>[vector<16xi32>, vector<16xi32>], vector<16xf32>,
    %add3A_253 = arith.constant 16 : i32
    %add3A_254 = vector.broadcast %add3A_253 : i32 to vector<16xi32>
    %add3A_255 = arith.addi %iota3A, %add3A_254 : vector<16xi32>
    %get3A_256 = arith.constant 272 : index
    %get3A_257 = tpu.vector_load %arg4[%get3A_256] {strides = array<i32>} : memref<512xi32, #tpu.memory_space<vmem>>, vector<16xi32>,
    tpu.vector_store_idx %arg5[%get3A_257, %add3A_255], %broadcast_in_dim3A_6 : memref<1000x128xf32, #tpu.memory_space<vmem>>[vector<16xi32>, vector<16xi32>], vector<16xf32>,
    %add3A_258 = arith.constant 32 : i32
    %add3A_259 = vector.broadcast %add3A_258 : i32 to vector<16xi32>
    %add3A_260 = arith.addi %iota3A, %add3A_259 : vector<16xi32>
    %get3A_261 = arith.constant 288 : index
    %get3A_262 = tpu.vector_load %arg4[%get3A_261] {strides = array<i32>} : memref<512xi32, #tpu.memory_space<vmem>>, vector<16xi32>,
    tpu.vector_store_idx %arg5[%get3A_262, %add3A_260], %broadcast_in_dim3A_6 : memref<1000x128xf32, #tpu.memory_space<vmem>>[vector<16xi32>, vector<16xi32>], vector<16xf32>,
    %add3A_263 = arith.constant 48 : i32
    %add3A_264 = vector.broadcast %add3A_263 : i32 to vector<16xi32>
    %add3A_265 = arith.addi %iota3A, %add3A_264 : vector<16xi32>
    %get3A_266 = arith.constant 304 : index
    %get3A_267 = tpu.vector_load %arg4[%get3A_266] {strides = array<i32>} : memref<512xi32, #tpu.memory_space<vmem>>, vector<16xi32>,
    tpu.vector_store_idx %arg5[%get3A_267, %add3A_265], %broadcast_in_dim3A_6 : memref<1000x128xf32, #tpu.memory_space<vmem>>[vector<16xi32>, vector<16xi32>], vector<16xf32>,
    %add3A_268 = arith.constant 64 : i32
    %add3A_269 = vector.broadcast %add3A_268 : i32 to vector<16xi32>
    %add3A_270 = arith.addi %iota3A, %add3A_269 : vector<16xi32>
    %get3A_271 = arith.constant 320 : index
    %get3A_272 = tpu.vector_load %arg4[%get3A_271] {strides = array<i32>} : memref<512xi32, #tpu.memory_space<vmem>>, vector<16xi32>,
    tpu.vector_store_idx %arg5[%get3A_272, %add3A_270], %broadcast_in_dim3A_6 : memref<1000x128xf32, #tpu.memory_space<vmem>>[vector<16xi32>, vector<16xi32>], vector<16xf32>,
    %add3A_273 = arith.constant 80 : i32
    %add3A_274 = vector.broadcast %add3A_273 : i32 to vector<16xi32>
    %add3A_275 = arith.addi %iota3A, %add3A_274 : vector<16xi32>
    %get3A_276 = arith.constant 336 : index
    %get3A_277 = tpu.vector_load %arg4[%get3A_276] {strides = array<i32>} : memref<512xi32, #tpu.memory_space<vmem>>, vector<16xi32>,
    tpu.vector_store_idx %arg5[%get3A_277, %add3A_275], %broadcast_in_dim3A_6 : memref<1000x128xf32, #tpu.memory_space<vmem>>[vector<16xi32>, vector<16xi32>], vector<16xf32>,
    %add3A_278 = arith.constant 96 : i32
    %add3A_279 = vector.broadcast %add3A_278 : i32 to vector<16xi32>
    %add3A_280 = arith.addi %iota3A, %add3A_279 : vector<16xi32>
    %get3A_281 = arith.constant 352 : index
    %get3A_282 = tpu.vector_load %arg4[%get3A_281] {strides = array<i32>} : memref<512xi32, #tpu.memory_space<vmem>>, vector<16xi32>,
    tpu.vector_store_idx %arg5[%get3A_282, %add3A_280], %broadcast_in_dim3A_6 : memref<1000x128xf32, #tpu.memory_space<vmem>>[vector<16xi32>, vector<16xi32>], vector<16xf32>,
    %add3A_283 = arith.constant 112 : i32
    %add3A_284 = vector.broadcast %add3A_283 : i32 to vector<16xi32>
    %add3A_285 = arith.addi %iota3A, %add3A_284 : vector<16xi32>
    %get3A_286 = arith.constant 368 : index
    %get3A_287 = tpu.vector_load %arg4[%get3A_286] {strides = array<i32>} : memref<512xi32, #tpu.memory_space<vmem>>, vector<16xi32>,
    tpu.vector_store_idx %arg5[%get3A_287, %add3A_285], %broadcast_in_dim3A_6 : memref<1000x128xf32, #tpu.memory_space<vmem>>[vector<16xi32>, vector<16xi32>], vector<16xf32>,
    %add3A_288 = arith.constant 0 : i32
    %add3A_289 = vector.broadcast %add3A_288 : i32 to vector<16xi32>
    %add3A_290 = arith.addi %iota3A, %add3A_289 : vector<16xi32>
    %get3A_291 = arith.constant 384 : index
    %get3A_292 = tpu.vector_load %arg4[%get3A_291] {strides = array<i32>} : memref<512xi32, #tpu.memory_space<vmem>>, vector<16xi32>,
    tpu.vector_store_idx %arg5[%get3A_292, %add3A_290], %broadcast_in_dim3A_4 : memref<1000x128xf32, #tpu.memory_space<vmem>>[vector<16xi32>, vector<16xi32>], vector<16xf32>,
    %add3A_293 = arith.constant 16 : i32
    %add3A_294 = vector.broadcast %add3A_293 : i32 to vector<16xi32>
    %add3A_295 = arith.addi %iota3A, %add3A_294 : vector<16xi32>
    %get3A_296 = arith.constant 400 : index
    %get3A_297 = tpu.vector_load %arg4[%get3A_296] {strides = array<i32>} : memref<512xi32, #tpu.memory_space<vmem>>, vector<16xi32>,
    tpu.vector_store_idx %arg5[%get3A_297, %add3A_295], %broadcast_in_dim3A_4 : memref<1000x128xf32, #tpu.memory_space<vmem>>[vector<16xi32>, vector<16xi32>], vector<16xf32>,
    %add3A_298 = arith.constant 32 : i32
    %add3A_299 = vector.broadcast %add3A_298 : i32 to vector<16xi32>
    %add3A_300 = arith.addi %iota3A, %add3A_299 : vector<16xi32>
    %get3A_301 = arith.constant 416 : index
    %get3A_302 = tpu.vector_load %arg4[%get3A_301] {strides = array<i32>} : memref<512xi32, #tpu.memory_space<vmem>>, vector<16xi32>,
    tpu.vector_store_idx %arg5[%get3A_302, %add3A_300], %broadcast_in_dim3A_4 : memref<1000x128xf32, #tpu.memory_space<vmem>>[vector<16xi32>, vector<16xi32>], vector<16xf32>,
    %add3A_303 = arith.constant 48 : i32
    %add3A_304 = vector.broadcast %add3A_303 : i32 to vector<16xi32>
    %add3A_305 = arith.addi %iota3A, %add3A_304 : vector<16xi32>
    %get3A_306 = arith.constant 432 : index
    %get3A_307 = tpu.vector_load %arg4[%get3A_306] {strides = array<i32>} : memref<512xi32, #tpu.memory_space<vmem>>, vector<16xi32>,
    tpu.vector_store_idx %arg5[%get3A_307, %add3A_305], %broadcast_in_dim3A_4 : memref<1000x128xf32, #tpu.memory_space<vmem>>[vector<16xi32>, vector<16xi32>], vector<16xf32>,
    %add3A_308 = arith.constant 64 : i32
    %add3A_309 = vector.broadcast %add3A_308 : i32 to vector<16xi32>
    %add3A_310 = arith.addi %iota3A, %add3A_309 : vector<16xi32>
    %get3A_311 = arith.constant 448 : index
    %get3A_312 = tpu.vector_load %arg4[%get3A_311] {strides = array<i32>} : memref<512xi32, #tpu.memory_space<vmem>>, vector<16xi32>,
    tpu.vector_store_idx %arg5[%get3A_312, %add3A_310], %broadcast_in_dim3A_4 : memref<1000x128xf32, #tpu.memory_space<vmem>>[vector<16xi32>, vector<16xi32>], vector<16xf32>,
    %add3A_313 = arith.constant 80 : i32
    %add3A_314 = vector.broadcast %add3A_313 : i32 to vector<16xi32>
    %add3A_315 = arith.addi %iota3A, %add3A_314 : vector<16xi32>
    %get3A_316 = arith.constant 464 : index
    %get3A_317 = tpu.vector_load %arg4[%get3A_316] {strides = array<i32>} : memref<512xi32, #tpu.memory_space<vmem>>, vector<16xi32>,
    tpu.vector_store_idx %arg5[%get3A_317, %add3A_315], %broadcast_in_dim3A_4 : memref<1000x128xf32, #tpu.memory_space<vmem>>[vector<16xi32>, vector<16xi32>], vector<16xf32>,
    %add3A_318 = arith.constant 96 : i32
    %add3A_319 = vector.broadcast %add3A_318 : i32 to vector<16xi32>
    %add3A_320 = arith.addi %iota3A, %add3A_319 : vector<16xi32>
    %get3A_321 = arith.constant 480 : index
    %get3A_322 = tpu.vector_load %arg4[%get3A_321] {strides = array<i32>} : memref<512xi32, #tpu.memory_space<vmem>>, vector<16xi32>,
    tpu.vector_store_idx %arg5[%get3A_322, %add3A_320], %broadcast_in_dim3A_4 : memref<1000x128xf32, #tpu.memory_space<vmem>>[vector<16xi32>, vector<16xi32>], vector<16xf32>,
    %add3A_323 = arith.constant 112 : i32
    %add3A_324 = vector.broadcast %add3A_323 : i32 to vector<16xi32>
    %add3A_325 = arith.addi %iota3A, %add3A_324 : vector<16xi32>
    %get3A_326 = arith.constant 496 : index
    %get3A_327 = tpu.vector_load %arg4[%get3A_326] {strides = array<i32>} : memref<512xi32, #tpu.memory_space<vmem>>, vector<16xi32>,
    tpu.vector_store_idx %arg5[%get3A_327, %add3A_325], %broadcast_in_dim3A_4 : memref<1000x128xf32, #tpu.memory_space<vmem>>[vector<16xi32>, vector<16xi32>], vector<16xf32>,
    %add3A_328 = arith.constant 384 : i32
    %add3A_329 = arith.addi %mul3A_2, %add3A_328 : i32
    %dma_start3A_330 = arith.constant 0 : i32
    %dma_start3A_331 = tpu.memref_slice %arg3[%dma_start3A_330, %add3A_329] : memref<1000x16384xf32, #tpu.memory_space<hbm>> -> memref<1000x128xf32, #tpu.memory_space<hbm>>
    %dma_start3A_332 = arith.constant 0 : i32
    %dma_start3A_333 = tpu.memref_slice %arg3[%dma_start3A_332, %add3A_329] : memref<1000x16384xf32, #tpu.memory_space<hbm>> -> memref<1000x128xf32, #tpu.memory_space<hbm>>
    tpu.enqueue_dma source(%arg5 : memref<1000x128xf32, #tpu.memory_space<vmem>>) target(%dma_start3A_333 : memref<1000x128xf32, #tpu.memory_space<hbm>>) target_semaphore(%arg6 : memref<!tpu.dma_semaphore, #tpu.memory_space<semaphore_mem>>)
    %add3A_334 = arith.constant 384 : i32
    %add3A_335 = arith.addi %mul3A_2, %add3A_334 : i32
    %dma_wait3A_336 = arith.constant 0 : i32
    %dma_wait3A_337 = tpu.memref_slice %arg3[%dma_wait3A_336, %add3A_335] : memref<1000x16384xf32, #tpu.memory_space<hbm>> -> memref<1000x128xf32, #tpu.memory_space<hbm>>
    %dma_wait3A_338 = arith.constant 0 : i32
    %dma_wait3A_339 = tpu.memref_slice %arg3[%dma_wait3A_338, %add3A_335] : memref<1000x16384xf32, #tpu.memory_space<hbm>> -> memref<1000x128xf32, #tpu.memory_space<hbm>>
    tpu.wait_dma2 semaphore(%arg6 : memref<!tpu.dma_semaphore, #tpu.memory_space<semaphore_mem>>) src(%arg5 : memref<1000x128xf32, #tpu.memory_space<vmem>>) dst(%dma_wait3A_339 : memref<1000x128xf32, #tpu.memory_space<hbm>>)
    return
  }
}

</mosaic_0001>

<sc_bundles>
// kernel: kernel.3.cloned.1.call-start
scs
__scs_entry_jumppad:
0x0: {  	(pc) =	sbr.rel $0x88, $3  }
0x1: {  	(tag) =	ssettag $0x0;
	lr =	simm.s32 $0x1  }
0x2: {  	[smem:$0x3FA0] =	sst lr;
	_ =	strace $0xD0000000  }
0x3: {  	_ = 	snop  }
0x4: {  	_ = 	snop  }
0x5: {  	_ = 	snop  }
0x6: {  	_ = 	snop  }
0x7: {  	_ = 	snop  }
__scs_overlays_trampoline_lowered:
0x8: {  	[smem:$0x3FAF] =	sst s0  }
0x9: {  	[smem:$0x3FB0] =	sst s1  }
0xa: {  	[smem:$0x3FB1] =	sst s2  }
0xb: {  	[smem:$0x3FB2] =	sst s3  }
0xc: {  	[smem:$0x3FB3] =	sst s4  }
0xd: {  	[smem:$0x3FB4] =	sst s5  }
0xe: {  	[smem:$0x3FB5] =	sst s6  }
0xf: {  	[smem:$0x3FB6] =	sst s7  }
0x10: {  	[smem:$0x3FB7] =	sst s8  }
0x11: {  	[smem:$0x3FB8] =	sst s9;
	s0 =	simm.s32 @!p0 $0x0  }
0x12: {  	s1 =	sld [smem:$0x3F9E];
	s0 =	simm.s32 @p0 $0x1  }
0x13: {  	[smem:$0x3FB9] =	sst s0;
	s0 =	simm.s32 @!p1 $0x0  }
0x14: {  	s2 =	sld [smem:$0x3F9D];
	s0 =	simm.s32 @p1 $0x1  }
0x15: {  	[smem:$0x3FBA] =	sst s0;
	s0 =	simm.s32 @!p2 $0x0  }
0x16: {  	s3 =	sld [smem:$0x3FDB];
	s0 =	simm.s32 @p2 $0x1  }
0x17: {  	s4 =	simm.s32 $0x1BF5;
	[smem:$0x3FBC] =	sst s0  }
0x18: {  	s0 =	sld [smem:$0x3F9F];
	_ =	swait.ge [sflag:s4], $0x0  }
0x19: {  	s7 =	sld [smem:$0x3FA0]  }
0x1a: {  	s8 =	sadd.s32 $0xFFFFE003, lr  }
0x1b: {  	s9 =	sadd.s32 $0xFFFFFEF7, lr;
	s5 =	simm.s32 $0xFFFFFFFF;
	p2 =	slt.u32 s8, $0xFFFFF086  }
0x1c: {  	p1 =	slt.u32 s9, $0xF7A;
	s5 =	simm.s32 @!p2 $0x0  }
0x1d: {  	s5 =	simm.s32 @p1 $0x1;
	p0 =	seq.s32 s7, s2  }
0x1e: {  	s7 =	smul.u32 @!p0 $0xF7A, s2;
	p2 =	seq.s32 @!p0 s5, $0x0  }
0x1f: {  	s9 =	smul.u32 $0xF7A, s1;
	s8 =	simm.s32 @!p0 $0x1BF5;
	p2 =	por !p2, p0  }
0x20: {  	[sflag:s8] =	ssyncset.s32 @!p0 $0xFFFFF086;
	s6 =	sadd.s32 @!p0 s3, s7;
	s7 =	simm.s32 @!p0 $0x108  }
0x21: {  	s3 =	sadd.s32 s3, s9;
	s6 =	sadd.s32 @!p0 $0x88, s6;
	s7 =	simm.s32 @p2 $0x1082  }
0x22: {  	[simem:s7], [sflag:s8] =	dma.local @!p0 [hbm:s6], $0xF7A  }
0x23: {  	s9 =	sor.u32 $0xD0000000, s2;
	s6 =	simm.s32 $0x108;
	_ =	swait.ge @!p0 [sflag:s8], $0x0  }
0x24: {  	s3 =	sadd.s32 $0x88, s3;
	s6 =	simm.s32 @!p1 $0x1082;
	[sflag:s4] =	ssyncset.s32 $0xFFFFF086  }
0x25: {  	[simem:s6], [sflag:s4] =	dma.local [hbm:s3], $0xF7A  }
0x26: {  	[smem:$0x3FA0] =	sst s1;
	(tag) =	ssettag s2;
	_ =	strace s9  }
0x27: {  	s1 =	sld [smem:$0x3FB0]  }
0x28: {  	s2 =	sld [smem:$0x3FB1]  }
0x29: {  	s4 =	sld [smem:$0x3FB3]  }
0x2a: {  	p0 =	seq.s32 s5, $0x0;
	s5 =	sld [smem:$0x3FB4]  }
0x2b: {  	s6 =	sld [smem:$0x3FB5]  }
0x2c: {  	s7 =	sld [smem:$0x3FB6]  }
0x2d: {  	s3 =	simm.s32 $0x108;
	s8 =	sld [smem:$0x3FB7]  }
0x2e: {  	s3 =	simm.s32 @!p0 $0x1082;
	s9 =	sld [smem:$0x3FB8]  }
0x2f: {  	lr =	sadd.s32 s0, s3;
	s0 =	sld [smem:$0x3FAF]  }
0x30: {  	s3 =	sld [smem:$0x3FB2]  }
0x31: {  	[smem:$0x3FBB] =	sst s10  }
0x32: {  	s10 =	sld [smem:$0x3FB9];
	_ =	sdelay $0x3  }
0x33: {  	p0 =	seq.s32 s10, $0x1;
	s10 =	sld [smem:$0x3FBB];
	_ =	sdelay $0x3  }
0x34: {  	[smem:$0x3FBB] =	sst s10  }
0x35: {  	s10 =	sld [smem:$0x3FBA];
	_ =	sdelay $0x3  }
0x36: {  	p1 =	seq.s32 s10, $0x1;
	s10 =	sld [smem:$0x3FBB];
	_ =	sdelay $0x3  }
0x37: {  	[smem:$0x3FBB] =	sst s10  }
0x38: {  	s10 =	sld [smem:$0x3FBC]  }
0x39: {  	_ = 	snop;
	(pc) =	sbr.ind lr, $3  }
0x3a: {  	_ = 	snop  }
0x3b: {  	_ = 	snop  }
0x3c: {  	p2 =	seq.s32 s10, $0x1;
	s10 =	sld [smem:$0x3FBB]  }
0x3d: {  	_ =	shalt  }
0x3e: {  	_ =	shalt  }
0x3f: {  	_ =	shalt  }
0x40: {  	_ =	shalt  }
0x41: {  	_ =	shalt  }
0x42: {  	_ =	shalt  }
0x43: {  	_ =	shalt  }
0x44: {  	_ =	shalt  }
0x45: {  	_ =	shalt  }
0x46: {  	_ =	shalt  }
0x47: {  	_ =	shalt  }
0x48: {  	_ =	shalt  }
0x49: {  	_ =	shalt  }
0x4a: {  	_ =	shalt  }
0x4b: {  	_ =	shalt  }
0x4c: {  	_ =	shalt  }
0x4d: {  	_ =	shalt  }
0x4e: {  	_ =	shalt  }
0x4f: {  	_ =	shalt  }
0x50: {  	_ =	shalt  }
0x51: {  	_ =	shalt  }
0x52: {  	_ =	shalt  }
0x53: {  	_ =	shalt  }
0x54: {  	_ =	shalt  }
0x55: {  	_ =	shalt  }
0x56: {  	_ =	shalt  }
0x57: {  	_ =	shalt  }
0x58: {  	_ =	shalt  }
0x59: {  	_ =	shalt  }
0x5a: {  	_ =	shalt  }
0x5b: {  	_ =	shalt  }
0x5c: {  	_ =	shalt  }
0x5d: {  	_ =	shalt  }
0x5e: {  	_ =	shalt  }
0x5f: {  	_ =	shalt  }
0x60: {  	_ =	shalt  }
0x61: {  	_ =	shalt  }
0x62: {  	_ =	shalt  }
0x63: {  	_ =	shalt  }
0x64: {  	_ =	shalt  }
0x65: {  	_ =	shalt  }
0x66: {  	_ =	shalt  }
0x67: {  	_ =	shalt  }
0x68: {  	_ =	shalt  }
0x69: {  	_ =	shalt  }
0x6a: {  	_ =	shalt  }
0x6b: {  	_ =	shalt  }
0x6c: {  	_ =	shalt  }
0x6d: {  	_ =	shalt  }
0x6e: {  	_ =	shalt  }
0x6f: {  	_ =	shalt  }
0x70: {  	_ =	shalt  }
0x71: {  	_ =	shalt  }
0x72: {  	_ =	shalt  }
0x73: {  	_ =	shalt  }
0x74: {  	_ =	shalt  }
0x75: {  	_ =	shalt  }
0x76: {  	_ =	shalt  }
0x77: {  	_ =	shalt  }
0x78: {  	_ =	shalt  }
0x79: {  	_ =	shalt  }
0x7a: {  	_ =	shalt  }
0x7b: {  	_ =	shalt  }
0x7c: {  	_ =	shalt  }
0x7d: {  	_ =	shalt  }
0x7e: {  	_ =	shalt  }
0x7f: {  	_ =	shalt  }
0x80: {  	_ =	shalt  }
0x81: {  	_ =	shalt  }
0x82: {  	_ =	shalt  }
0x83: {  	_ =	shalt  }
0x84: {  	_ =	shalt  }
0x85: {  	_ =	shalt  }
0x86: {  	_ =	shalt  }
0x87: {  	_ =	shalt  }
.Lfunc_end0:
.L_simem_size_0:
called_computation_lowered:
.L_overlay_start_0:
0x88: {  	s2 =	sld [smem:$0x3FD9]  }
0x89: {  	s3 =	sld [smem:$0x3FFE];
	_ =	sdelay $0x1  }
0x8a: {  	s1 =	srdreg.scid  }
0x8b: {  	s0 =	sand.u32 $0x1, s1  }
0x8c: {  	s18 =	sshll.u32 s0, $0xA;
	s2 =	sadd.s32 s3, s2  }
0x8d: {  	s2 =	sadd.s32 s2, s18  }
0x8e: {  	[smem:$0x3FC7] =	sst s2  }
0x8f: {  	_ = 	snop  }
0x90: {  	s2 =	sld [smem:$0x3FC9]  }
0x91: {  	s19 =	sld [smem:$0x3FD0];
	(tm) =	ssettm $0x1  }
0x92: {  	s4 =	sld [smem:$0x3FFB];
	_ =	sdelay $0x3  }
0x93: {  	_ =	strace s4  }
0x94: {  	s4 =	sld [smem:$0x3FFC];
	_ =	sdelay $0x3  }
0x95: {  	_ =	strace s4  }
0x96: {  	s4 =	sld [smem:$0x3FFD];
	_ =	sdelay $0x3  }
0x97: {  	_ =	strace s4  }
0x98: {  	_ =	strace $0x8FFFFFFF  }
0x99: {  	s20 =	sld [smem:$0x3FDB];
	_ =	sdelay $0x1  }
0x9a: {  	s5 =	simm.s32 $_scs_section_size  }
0x9b: {  	s6 =	simm.s32 $_size__tile_overlayer_lowered;
	s7 =	simm.s32 $_tile_overlayer_lowered  }
0x9c: {  	s23 =	simm.s32 $0x1BFF;
	s22 =	sshll.u32 s7, $0x1;
	s4 =	sadd.s32 s5, s20  }
0x9d: {  	s8 =	simm.s32 $0x0;
	s21 =	sshll.u32 s6, $0x1;
	s6 =	sadd.s32 s22, s4  }
0x9e: {  	[timem:s8], [sflag:s23] =	dma.local [hbm:s6], s21  }
0x9f: {  	_ =	swait.ge [sflag:s23], s21  }
0xa0: {  	s5 =	ssub.s32 $0x0, s21;
	[sflag:s23] =	ssyncset.done $0x0  }
0xa1: {  	[sflag:s23] =	ssyncadd.s32 s5;
	_ =	sdelay $0x1  }
0xa2: {  	s24 =	simm.s32 $0x1B8B  }
0xa3: {  	_ =	swait.ge [sflag:s24], $0x1  }
0xa4: {  	[sflag:s24] =	ssyncset.done $0x0  }
0xa5: {  	s25 =	simm.s32 $0x1B8E;
	[sflag:s24] =	ssyncadd.s32 $0xFFFFFFFF  }
0xa6: {  	s26 =	simm.s32 $execute0_lowered;
	[smem:$0x3FD2] =	sst s25  }
0xa7: {  	s5 =	sshll.u32 s26, $0x1;
	_ =	strace $0x80000046;
	[dreg:$0x1] =	wrdreg $0xFFFFFFFF  }
0xa8: {  	s28 =	simm.s32 $_size_execute0_lowered;
	s4 =	sadd.s32 s4, s5;
	[dreg:$0x0] =	wrdreg $0x0  }
0xa9: {  	s5 =	sshll.u32 s28, $0x1;
	[dreg:$0x2] =	wrdreg s4  }
0xaa: {  	[dreg:$0x3] =	wrdreg s5  }
0xab: {  	[dreg:$0x4] =	wrdreg $0xC0  }
0xac: {  	_ =	task [dreg:s8], $0x5FFFF  }
0xad: {  	[dreg:$0x1] =	wrdreg $0xFFFFFFFF  }
0xae: {  	[dreg:$0x0] =	wrdreg $0x60  }
0xaf: {  	[dreg:$0x2] =	wrdreg s2  }
0xb0: {  	[dreg:$0x3] =	wrdreg s19  }
0xb1: {  	[dreg:$0x4] =	wrdreg $0x9  }
0xb2: {  	_ =	task.clear_ibuf [dreg:s8], $0x5FFFF;
	_ =	strace $0x90000046  }
0xb3: {  	s29 =	simm.s32 $0x9;
	_ =	strace $0x80000048  }
0xb4: {  	_ =	swait.ge [sflag:s29], $0x1  }
0xb5: {  	[sflag:s29] =	ssyncadd.s32 $0xFFFFFFFF  }
0xb6: {  	_ =	strace $0x90000048  }
0xb7: {  	_ =	sfence  }
0xb8: {  	s30 =	sld [smem:$0x0];
	_ =	sdelay $0x2  }
0xb9: {  	s31 =	sshll.u32 s1, $0xD;
	s1 =	sshrl.u32 s1, $0x2  }
0xba: {  	s3 =	sand.u32 $0x4000, s31;
	s1 =	sadd.s32 s1, s30  }
0xbb: {  	s0 =	sor.u32 s3, s0;
	s1 =	sshll.u32 s1, $0x11  }
0xbc: {  	s0 =	sor.u32 s1, s0  }
0xbd: {  	s0 =	sadd.s32 $0x8F2B, s0  }
0xbe: {  	[sflag:s0] =	ssyncadd.remote.s32 $0x1  }
0xbf: {  	_ =	sfence.sel $0xFFFF  }
0xc0: {  	[dreg:$0x0] =	wrdreg $0xFFFFFFFF;
	(pc) =	sbr.abs _section_cstart, $3  }
0xc1: {  	[dreg:$0x1] =	wrdreg $0xFFFFFFFF  }
0xc2: {  	_ =	task.clear_ibuf [dreg:s8], $0x2FFFF;
	_ =	strace $0x9FFFFFFF  }
0xc3: {  	(tm) =	ssettm $0x7FFFFFFF  }
tec
execute0_lowered:
.L_overlay_start_1:
0x0: {  	(tag) =	ssettag $0x1  }
0x1: {  	s4 =	rddreg [dreg:$0x0]  }
0x2: {  	s3 =	rddreg [dreg:$0x1]  }
0x3: {  	s0 =	rddreg [dreg:$0x2];
	s5 =	srdreg.scid  }
0x4: {  	s2 =	simm.s32 $0x0;
	s1 =	stileid.u32;
	s10 =	simm.s32 $0x200  }
0x5: {  	s11 =	simm.s32 $0x400;
	s12 =	simm.s32 $0x20000;
	s13 =	simm.s32 $0x1  }
0x6: {  	s14 =	simm.s32 $0x0;
	s5 =	sand.u32 $0x1, s5;
	[smem:$0x7FF] =	sst s2  }
0x7: {  	s6 =	sshll.u32 s1, $0xA;
	s7 =	sshll.u32 s5, $0x9;
	s5 =	ssub.s32 $0x2, s5  }
0x8: {  	v0 =	vlaneseq.u32;
	_ =	strace $0x80000047;
	s6 =	sor.u32 s7, s6;
	s31 =	sshrl.u32 s5, $0x1  }
0x9: {  	v1 =	vimm.f32 $0.0e+00;
	v2 =	vimm.f32 $1.000000000e+00;
	v3 =	vor.u32 $0x10, v0;
	s8 =	sshrl.u32 s6, $0x3;
	s3 =	sadd.s32 s3, s6;
	s9 =	ssub.s32 s5, s31  }
0xa: {  	v4 =	vor.u32 $0x20, v0;
	v5 =	vor.u32 $0x30, v0;
	v6 =	vor.u32 $0x40, v0;
	s4 =	sadd.s32 s4, s8;
	s5 =	sadd.s32 $0x80, s3;
	s6 =	sadd.s32 $0x100, s3  }
0xb: {  	v7 =	vor.u32 $0x50, v0;
	v8 =	vor.u32 $0x60, v0;
	v9 =	vor.u32 $0x70, v0;
	s7 =	sadd.s32 $0x180, s3;
	s8 =	smax.u32 s9, $0x1;
	s9 =	simm.s32 $0x2  }
.LBB2_1:
0xc: {  	[tilespmem:s2], [sflag:$0x2] =	stream.linear.gather [hbm4b:s4+s2], $0x200, $0x38;
	[tilespmem:$0x1F600] =	vst v63  }
0xd: {  	s15 =	simm.s32 $0x0;
	s16 =	simm.s32 $0x800  }
.LBB2_2:
0xe: {  	p0 =	sne.s32 s16, $0x7C800;
	[tilespmem:s15+$0x3F0] =	vst v1  }
0xf: {  	[tilespmem:s15+$0x200] =	vst v1  }
0x10: {  	[tilespmem:s15+$0x210] =	vst v1  }
0x11: {  	[tilespmem:s15+$0x220] =	vst v1  }
0x12: {  	[tilespmem:s15+$0x230] =	vst v1  }
0x13: {  	[tilespmem:s15+$0x240] =	vst v1  }
0x14: {  	[tilespmem:s15+$0x250] =	vst v1  }
0x15: {  	[tilespmem:s15+$0x260] =	vst v1  }
0x16: {  	[tilespmem:s15+$0x270] =	vst v1  }
0x17: {  	[tilespmem:s15+$0x280] =	vst v1  }
0x18: {  	[tilespmem:s15+$0x290] =	vst v1  }
0x19: {  	[tilespmem:s15+$0x2A0] =	vst v1  }
0x1a: {  	[tilespmem:s15+$0x2B0] =	vst v1  }
0x1b: {  	[tilespmem:s15+$0x2C0] =	vst v1  }
0x1c: {  	[tilespmem:s15+$0x2D0] =	vst v1  }
0x1d: {  	[tilespmem:s15+$0x2E0] =	vst v1  }
0x1e: {  	[tilespmem:s15+$0x2F0] =	vst v1  }
0x1f: {  	[tilespmem:s15+$0x300] =	vst v1  }
0x20: {  	[tilespmem:s15+$0x310] =	vst v1  }
0x21: {  	[tilespmem:s15+$0x320] =	vst v1  }
0x22: {  	[tilespmem:s15+$0x330] =	vst v1  }
0x23: {  	[tilespmem:s15+$0x340] =	vst v1  }
0x24: {  	[tilespmem:s15+$0x350] =	vst v1  }
0x25: {  	[tilespmem:s15+$0x360] =	vst v1  }
0x26: {  	[tilespmem:s15+$0x370] =	vst v1  }
0x27: {  	[tilespmem:s15+$0x380] =	vst v1  }
0x28: {  	[tilespmem:s15+$0x390] =	vst v1  }
.Ltmp0:
0x29: {  	[tilespmem:s15+$0x3A0] =	vst v1;
	(pc) =	sbr.rel @p0 .LBB2_2-.Ltmp0, $4  }
0x2a: {  	[tilespmem:s15+$0x3B0] =	vst v1  }
0x2b: {  	[tilespmem:s15+$0x3C0] =	vst v1  }
0x2c: {  	[tilespmem:s15+$0x3D0] =	vst v1  }
0x2d: {  	[tilespmem:s15+$0x3E0] =	vst v1;
	s15 =	sshra.s32 s16, $0x2;
	s16 =	sadd.s32 $0x800, s16  }
0x2e: {  	[tilespmem:s15+$0x3F0] =	vst v1  }
0x2f: {  	[tilespmem:s15+$0x200] =	vst v1  }
0x30: {  	[tilespmem:s15+$0x210] =	vst v1  }
0x31: {  	[tilespmem:s15+$0x220] =	vst v1  }
0x32: {  	[tilespmem:s15+$0x230] =	vst v1  }
0x33: {  	[tilespmem:s15+$0x240] =	vst v1  }
0x34: {  	[tilespmem:s15+$0x250] =	vst v1  }
0x35: {  	[tilespmem:s15+$0x260] =	vst v1  }
0x36: {  	[tilespmem:s15+$0x270] =	vst v1  }
0x37: {  	[tilespmem:s15+$0x280] =	vst v1  }
0x38: {  	[tilespmem:s15+$0x290] =	vst v1  }
0x39: {  	[tilespmem:s15+$0x2A0] =	vst v1  }
0x3a: {  	[tilespmem:s15+$0x2B0] =	vst v1  }
0x3b: {  	[tilespmem:s15+$0x2C0] =	vst v1  }
0x3c: {  	[tilespmem:s15+$0x2D0] =	vst v1  }
0x3d: {  	[tilespmem:s15+$0x2E0] =	vst v1  }
0x3e: {  	[tilespmem:s15+$0x2F0] =	vst v1  }
0x3f: {  	[tilespmem:s15+$0x300] =	vst v1  }
0x40: {  	[tilespmem:s15+$0x310] =	vst v1  }
0x41: {  	[tilespmem:s15+$0x320] =	vst v1  }
0x42: {  	[tilespmem:s15+$0x330] =	vst v1  }
0x43: {  	[tilespmem:s15+$0x340] =	vst v1  }
0x44: {  	[tilespmem:s15+$0x350] =	vst v1  }
0x45: {  	[tilespmem:s15+$0x360] =	vst v1  }
0x46: {  	[tilespmem:s15+$0x370] =	vst v1  }
0x47: {  	[tilespmem:s15+$0x380] =	vst v1  }
0x48: {  	[tilespmem:s15+$0x390] =	vst v1  }
0x49: {  	[tilespmem:s15+$0x3A0] =	vst v1  }
0x4a: {  	[tilespmem:s15+$0x3B0] =	vst v1  }
0x4b: {  	[tilespmem:s15+$0x3C0] =	vst v1  }
0x4c: {  	[tilespmem:s15+$0x3D0] =	vst v1  }
0x4d: {  	[tilespmem:s15+$0x3E0] =	vst v1  }
0x4e: {  	_ =	swait.ge [sflag:s9], $0x200  }
0x4f: {  	[sflag:s9] =	ssyncset.done $0x0  }
0x50: {  	[sflag:s9] =	ssyncadd.s32 $0xFFFFFE00  }
0x51: {  	v10 =	vld [tilespmem:$0x0];
	_ =	sdelay $0x4  }
0x52: {  	v10 =	vshll.u32 v10, $0x7  }
0x53: {  	v10 =	vor.u32 v0, v10;
	_ =	sdelay $0x4  }
0x54: {  	[tilespmem:v10+s10+$0x0] =	vst.idx.msk $0xffff, v2  }
0x55: {  	v10 =	vld [tilespmem:$0x10];
	_ =	sdelay $0x4  }
0x56: {  	v10 =	vshll.u32 v10, $0x7  }
0x57: {  	v10 =	vor.u32 v3, v10;
	_ =	sdelay $0x4  }
0x58: {  	[tilespmem:v10+s10+$0x0] =	vst.idx.msk $0xffff, v2  }
0x59: {  	v10 =	vld [tilespmem:$0x20];
	_ =	sdelay $0x4  }
0x5a: {  	v10 =	vshll.u32 v10, $0x7  }
0x5b: {  	v10 =	vor.u32 v4, v10;
	_ =	sdelay $0x4  }
0x5c: {  	[tilespmem:v10+s10+$0x0] =	vst.idx.msk $0xffff, v2  }
0x5d: {  	v10 =	vld [tilespmem:$0x30];
	_ =	sdelay $0x4  }
0x5e: {  	v10 =	vshll.u32 v10, $0x7  }
0x5f: {  	v10 =	vor.u32 v5, v10;
	_ =	sdelay $0x4  }
0x60: {  	[tilespmem:v10+s10+$0x0] =	vst.idx.msk $0xffff, v2  }
0x61: {  	v10 =	vld [tilespmem:$0x40];
	_ =	sdelay $0x4  }
0x62: {  	v10 =	vshll.u32 v10, $0x7  }
0x63: {  	v10 =	vor.u32 v6, v10;
	_ =	sdelay $0x4  }
0x64: {  	[tilespmem:v10+s10+$0x0] =	vst.idx.msk $0xffff, v2  }
0x65: {  	v10 =	vld [tilespmem:$0x50];
	_ =	sdelay $0x4  }
0x66: {  	v10 =	vshll.u32 v10, $0x7  }
0x67: {  	v10 =	vor.u32 v7, v10;
	_ =	sdelay $0x4  }
0x68: {  	[tilespmem:v10+s10+$0x0] =	vst.idx.msk $0xffff, v2  }
0x69: {  	v10 =	vld [tilespmem:$0x60];
	_ =	sdelay $0x4  }
0x6a: {  	v10 =	vshll.u32 v10, $0x7  }
0x6b: {  	v10 =	vor.u32 v8, v10;
	_ =	sdelay $0x4  }
0x6c: {  	[tilespmem:v10+s10+$0x0] =	vst.idx.msk $0xffff, v2  }
0x6d: {  	v10 =	vld [tilespmem:$0x70];
	_ =	sdelay $0x4  }
0x6e: {  	v10 =	vshll.u32 v10, $0x7  }
0x6f: {  	v10 =	vor.u32 v9, v10;
	_ =	sdelay $0x4  }
0x70: {  	[tilespmem:v10+s10+$0x0] =	vst.idx.msk $0xffff, v2  }
0x71: {  	[hbm4b:s3+s11] =	stream.strided.scatter [tilespmem:s10], [sflag:$0x1], $0x1F400, s12, s11, $0x38;
	[tilespmem:$0x1F600] =	vst v63  }
0x72: {  	_ =	swait.ge [sflag:s13], $0x1F400  }
0x73: {  	[sflag:s13] =	ssyncset.done $0x0  }
0x74: {  	[sflag:s13] =	ssyncadd.s32 $0xFFFE0C00  }
0x75: {  	v10 =	vld [tilespmem:$0x0];
	_ =	sdelay $0x4  }
0x76: {  	v10 =	vshll.u32 v10, $0x7  }
0x77: {  	v10 =	vor.u32 v0, v10;
	_ =	sdelay $0x4  }
0x78: {  	[tilespmem:v10+s10+$0x0] =	vst.idx.msk $0xffff, v1  }
0x79: {  	v10 =	vld [tilespmem:$0x10];
	_ =	sdelay $0x4  }
0x7a: {  	v10 =	vshll.u32 v10, $0x7  }
0x7b: {  	v10 =	vor.u32 v3, v10;
	_ =	sdelay $0x4  }
0x7c: {  	[tilespmem:v10+s10+$0x0] =	vst.idx.msk $0xffff, v1  }
0x7d: {  	v10 =	vld [tilespmem:$0x20];
	_ =	sdelay $0x4  }
0x7e: {  	v10 =	vshll.u32 v10, $0x7  }
0x7f: {  	v10 =	vor.u32 v4, v10;
	_ =	sdelay $0x4  }
0x80: {  	[tilespmem:v10+s10+$0x0] =	vst.idx.msk $0xffff, v1  }
0x81: {  	v10 =	vld [tilespmem:$0x30];
	_ =	sdelay $0x4  }
0x82: {  	v10 =	vshll.u32 v10, $0x7  }
0x83: {  	v10 =	vor.u32 v5, v10;
	_ =	sdelay $0x4  }
0x84: {  	[tilespmem:v10+s10+$0x0] =	vst.idx.msk $0xffff, v1  }
0x85: {  	v10 =	vld [tilespmem:$0x40];
	_ =	sdelay $0x4  }
0x86: {  	v10 =	vshll.u32 v10, $0x7  }
0x87: {  	v10 =	vor.u32 v6, v10;
	_ =	sdelay $0x4  }
0x88: {  	[tilespmem:v10+s10+$0x0] =	vst.idx.msk $0xffff, v1  }
0x89: {  	v10 =	vld [tilespmem:$0x50];
	_ =	sdelay $0x4  }
0x8a: {  	v10 =	vshll.u32 v10, $0x7  }
0x8b: {  	v10 =	vor.u32 v7, v10;
	_ =	sdelay $0x4  }
0x8c: {  	[tilespmem:v10+s10+$0x0] =	vst.idx.msk $0xffff, v1  }
0x8d: {  	v10 =	vld [tilespmem:$0x60];
	_ =	sdelay $0x4  }
0x8e: {  	v10 =	vshll.u32 v10, $0x7  }
0x8f: {  	v10 =	vor.u32 v8, v10;
	_ =	sdelay $0x4  }
0x90: {  	[tilespmem:v10+s10+$0x0] =	vst.idx.msk $0xffff, v1  }
0x91: {  	v10 =	vld [tilespmem:$0x70];
	_ =	sdelay $0x4  }
0x92: {  	v10 =	vshll.u32 v10, $0x7  }
0x93: {  	v10 =	vor.u32 v9, v10;
	_ =	sdelay $0x4  }
0x94: {  	[tilespmem:v10+s10+$0x0] =	vst.idx.msk $0xffff, v1  }
0x95: {  	v10 =	vld [tilespmem:$0x80];
	_ =	sdelay $0x4  }
0x96: {  	v10 =	vshll.u32 v10, $0x7  }
0x97: {  	v10 =	vor.u32 v0, v10;
	_ =	sdelay $0x4  }
0x98: {  	[tilespmem:v10+s10+$0x0] =	vst.idx.msk $0xffff, v2  }
0x99: {  	v10 =	vld [tilespmem:$0x90];
	_ =	sdelay $0x4  }
0x9a: {  	v10 =	vshll.u32 v10, $0x7  }
0x9b: {  	v10 =	vor.u32 v3, v10;
	_ =	sdelay $0x4  }
0x9c: {  	[tilespmem:v10+s10+$0x0] =	vst.idx.msk $0xffff, v2  }
0x9d: {  	v10 =	vld [tilespmem:$0xA0];
	_ =	sdelay $0x4  }
0x9e: {  	v10 =	vshll.u32 v10, $0x7  }
0x9f: {  	v10 =	vor.u32 v4, v10;
	_ =	sdelay $0x4  }
0xa0: {  	[tilespmem:v10+s10+$0x0] =	vst.idx.msk $0xffff, v2  }
0xa1: {  	v10 =	vld [tilespmem:$0xB0];
	_ =	sdelay $0x4  }
0xa2: {  	v10 =	vshll.u32 v10, $0x7  }
0xa3: {  	v10 =	vor.u32 v5, v10;
	_ =	sdelay $0x4  }
0xa4: {  	[tilespmem:v10+s10+$0x0] =	vst.idx.msk $0xffff, v2  }
0xa5: {  	v10 =	vld [tilespmem:$0xC0];
	_ =	sdelay $0x4  }
0xa6: {  	v10 =	vshll.u32 v10, $0x7  }
0xa7: {  	v10 =	vor.u32 v6, v10;
	_ =	sdelay $0x4  }
0xa8: {  	[tilespmem:v10+s10+$0x0] =	vst.idx.msk $0xffff, v2  }
0xa9: {  	v10 =	vld [tilespmem:$0xD0];
	_ =	sdelay $0x4  }
0xaa: {  	v10 =	vshll.u32 v10, $0x7  }
0xab: {  	v10 =	vor.u32 v7, v10;
	_ =	sdelay $0x4  }
0xac: {  	[tilespmem:v10+s10+$0x0] =	vst.idx.msk $0xffff, v2  }
0xad: {  	v10 =	vld [tilespmem:$0xE0];
	_ =	sdelay $0x4  }
0xae: {  	v10 =	vshll.u32 v10, $0x7  }
0xaf: {  	v10 =	vor.u32 v8, v10;
	_ =	sdelay $0x4  }
0xb0: {  	[tilespmem:v10+s10+$0x0] =	vst.idx.msk $0xffff, v2  }
0xb1: {  	v10 =	vld [tilespmem:$0xF0];
	_ =	sdelay $0x4  }
0xb2: {  	v10 =	vshll.u32 v10, $0x7  }
0xb3: {  	v10 =	vor.u32 v9, v10;
	_ =	sdelay $0x4  }
0xb4: {  	[tilespmem:v10+s10+$0x0] =	vst.idx.msk $0xffff, v2  }
0xb5: {  	[hbm4b:s5+s11] =	stream.strided.scatter [tilespmem:s10], [sflag:$0x1], $0x1F400, s12, s11, $0x38;
	[tilespmem:$0x1F600] =	vst v63  }
0xb6: {  	_ =	swait.ge [sflag:s13], $0x1F400  }
0xb7: {  	[sflag:s13] =	ssyncset.done $0x0  }
0xb8: {  	[sflag:s13] =	ssyncadd.s32 $0xFFFE0C00  }
0xb9: {  	v10 =	vld [tilespmem:$0x80];
	_ =	sdelay $0x4  }
0xba: {  	v10 =	vshll.u32 v10, $0x7  }
0xbb: {  	v10 =	vor.u32 v0, v10;
	_ =	sdelay $0x4  }
0xbc: {  	[tilespmem:v10+s10+$0x0] =	vst.idx.msk $0xffff, v1  }
0xbd: {  	v10 =	vld [tilespmem:$0x90];
	_ =	sdelay $0x4  }
0xbe: {  	v10 =	vshll.u32 v10, $0x7  }
0xbf: {  	v10 =	vor.u32 v3, v10;
	_ =	sdelay $0x4  }
0xc0: {  	[tilespmem:v10+s10+$0x0] =	vst.idx.msk $0xffff, v1  }
0xc1: {  	v10 =	vld [tilespmem:$0xA0];
	_ =	sdelay $0x4  }
0xc2: {  	v10 =	vshll.u32 v10, $0x7  }
0xc3: {  	v10 =	vor.u32 v4, v10;
	_ =	sdelay $0x4  }
0xc4: {  	[tilespmem:v10+s10+$0x0] =	vst.idx.msk $0xffff, v1  }
0xc5: {  	v10 =	vld [tilespmem:$0xB0];
	_ =	sdelay $0x4  }
0xc6: {  	v10 =	vshll.u32 v10, $0x7  }
0xc7: {  	v10 =	vor.u32 v5, v10;
	_ =	sdelay $0x4  }
0xc8: {  	[tilespmem:v10+s10+$0x0] =	vst.idx.msk $0xffff, v1  }
0xc9: {  	v10 =	vld [tilespmem:$0xC0];
	_ =	sdelay $0x4  }
0xca: {  	v10 =	vshll.u32 v10, $0x7  }
0xcb: {  	v10 =	vor.u32 v6, v10;
	_ =	sdelay $0x4  }
0xcc: {  	[tilespmem:v10+s10+$0x0] =	vst.idx.msk $0xffff, v1  }
0xcd: {  	v10 =	vld [tilespmem:$0xD0];
	_ =	sdelay $0x4  }
0xce: {  	v10 =	vshll.u32 v10, $0x7  }
0xcf: {  	v10 =	vor.u32 v7, v10;
	_ =	sdelay $0x4  }
0xd0: {  	[tilespmem:v10+s10+$0x0] =	vst.idx.msk $0xffff, v1  }
0xd1: {  	v10 =	vld [tilespmem:$0xE0];
	_ =	sdelay $0x4  }
0xd2: {  	v10 =	vshll.u32 v10, $0x7  }
0xd3: {  	v10 =	vor.u32 v8, v10;
	_ =	sdelay $0x4  }
0xd4: {  	[tilespmem:v10+s10+$0x0] =	vst.idx.msk $0xffff, v1  }
0xd5: {  	v10 =	vld [tilespmem:$0xF0];
	_ =	sdelay $0x4  }
0xd6: {  	v10 =	vshll.u32 v10, $0x7  }
0xd7: {  	v10 =	vor.u32 v9, v10;
	_ =	sdelay $0x4  }
0xd8: {  	[tilespmem:v10+s10+$0x0] =	vst.idx.msk $0xffff, v1  }
0xd9: {  	v10 =	vld [tilespmem:$0x100];
	_ =	sdelay $0x4  }
0xda: {  	v10 =	vshll.u32 v10, $0x7  }
0xdb: {  	v10 =	vor.u32 v0, v10;
	_ =	sdelay $0x4  }
0xdc: {  	[tilespmem:v10+s10+$0x0] =	vst.idx.msk $0xffff, v2  }
0xdd: {  	v10 =	vld [tilespmem:$0x110];
	_ =	sdelay $0x4  }
0xde: {  	v10 =	vshll.u32 v10, $0x7  }
0xdf: {  	v10 =	vor.u32 v3, v10;
	_ =	sdelay $0x4  }
0xe0: {  	[tilespmem:v10+s10+$0x0] =	vst.idx.msk $0xffff, v2  }
0xe1: {  	v10 =	vld [tilespmem:$0x120];
	_ =	sdelay $0x4  }
0xe2: {  	v10 =	vshll.u32 v10, $0x7  }
0xe3: {  	v10 =	vor.u32 v4, v10;
	_ =	sdelay $0x4  }
0xe4: {  	[tilespmem:v10+s10+$0x0] =	vst.idx.msk $0xffff, v2  }
0xe5: {  	v10 =	vld [tilespmem:$0x130];
	_ =	sdelay $0x4  }
0xe6: {  	v10 =	vshll.u32 v10, $0x7  }
0xe7: {  	v10 =	vor.u32 v5, v10;
	_ =	sdelay $0x4  }
0xe8: {  	[tilespmem:v10+s10+$0x0] =	vst.idx.msk $0xffff, v2  }
0xe9: {  	v10 =	vld [tilespmem:$0x140];
	_ =	sdelay $0x4  }
0xea: {  	v10 =	vshll.u32 v10, $0x7  }
0xeb: {  	v10 =	vor.u32 v6, v10;
	_ =	sdelay $0x4  }
0xec: {  	[tilespmem:v10+s10+$0x0] =	vst.idx.msk $0xffff, v2  }
0xed: {  	v10 =	vld [tilespmem:$0x150];
	_ =	sdelay $0x4  }
0xee: {  	v10 =	vshll.u32 v10, $0x7  }
0xef: {  	v10 =	vor.u32 v7, v10;
	_ =	sdelay $0x4  }
0xf0: {  	[tilespmem:v10+s10+$0x0] =	vst.idx.msk $0xffff, v2  }
0xf1: {  	v10 =	vld [tilespmem:$0x160];
	_ =	sdelay $0x4  }
0xf2: {  	v10 =	vshll.u32 v10, $0x7  }
0xf3: {  	v10 =	vor.u32 v8, v10;
	_ =	sdelay $0x4  }
0xf4: {  	[tilespmem:v10+s10+$0x0] =	vst.idx.msk $0xffff, v2  }
0xf5: {  	v10 =	vld [tilespmem:$0x170];
	_ =	sdelay $0x4  }
0xf6: {  	v10 =	vshll.u32 v10, $0x7  }
0xf7: {  	v10 =	vor.u32 v9, v10;
	_ =	sdelay $0x4  }
0xf8: {  	[tilespmem:v10+s10+$0x0] =	vst.idx.msk $0xffff, v2  }
0xf9: {  	[hbm4b:s6+s11] =	stream.strided.scatter [tilespmem:s10], [sflag:$0x1], $0x1F400, s12, s11, $0x38;
	[tilespmem:$0x1F600] =	vst v63  }
0xfa: {  	_ =	swait.ge [sflag:s13], $0x1F400  }
0xfb: {  	[sflag:s13] =	ssyncset.done $0x0  }
0xfc: {  	[sflag:s13] =	ssyncadd.s32 $0xFFFE0C00  }
0xfd: {  	v10 =	vld [tilespmem:$0x100];
	_ =	sdelay $0x4  }
0xfe: {  	v10 =	vshll.u32 v10, $0x7  }
0xff: {  	v10 =	vor.u32 v0, v10;
	_ =	sdelay $0x4  }
0x100: {  	[tilespmem:v10+s10+$0x0] =	vst.idx.msk $0xffff, v1  }
0x101: {  	v10 =	vld [tilespmem:$0x110];
	_ =	sdelay $0x4  }
0x102: {  	v10 =	vshll.u32 v10, $0x7  }
0x103: {  	v10 =	vor.u32 v3, v10;
	_ =	sdelay $0x4  }
0x104: {  	[tilespmem:v10+s10+$0x0] =	vst.idx.msk $0xffff, v1  }
0x105: {  	v10 =	vld [tilespmem:$0x120];
	_ =	sdelay $0x4  }
0x106: {  	v10 =	vshll.u32 v10, $0x7  }
0x107: {  	v10 =	vor.u32 v4, v10;
	_ =	sdelay $0x4  }
0x108: {  	[tilespmem:v10+s10+$0x0] =	vst.idx.msk $0xffff, v1  }
0x109: {  	v10 =	vld [tilespmem:$0x130];
	_ =	sdelay $0x4  }
0x10a: {  	v10 =	vshll.u32 v10, $0x7  }
0x10b: {  	v10 =	vor.u32 v5, v10;
	_ =	sdelay $0x4  }
0x10c: {  	[tilespmem:v10+s10+$0x0] =	vst.idx.msk $0xffff, v1  }
0x10d: {  	v10 =	vld [tilespmem:$0x140];
	_ =	sdelay $0x4  }
0x10e: {  	v10 =	vshll.u32 v10, $0x7  }
0x10f: {  	v10 =	vor.u32 v6, v10;
	_ =	sdelay $0x4  }
0x110: {  	[tilespmem:v10+s10+$0x0] =	vst.idx.msk $0xffff, v1  }
0x111: {  	v10 =	vld [tilespmem:$0x150];
	_ =	sdelay $0x4  }
0x112: {  	v10 =	vshll.u32 v10, $0x7  }
0x113: {  	v10 =	vor.u32 v7, v10;
	_ =	sdelay $0x4  }
0x114: {  	[tilespmem:v10+s10+$0x0] =	vst.idx.msk $0xffff, v1  }
0x115: {  	v10 =	vld [tilespmem:$0x160];
	_ =	sdelay $0x4  }
0x116: {  	v10 =	vshll.u32 v10, $0x7  }
0x117: {  	v10 =	vor.u32 v8, v10;
	_ =	sdelay $0x4  }
0x118: {  	[tilespmem:v10+s10+$0x0] =	vst.idx.msk $0xffff, v1  }
0x119: {  	v10 =	vld [tilespmem:$0x170];
	_ =	sdelay $0x4  }
0x11a: {  	v10 =	vshll.u32 v10, $0x7  }
0x11b: {  	v10 =	vor.u32 v9, v10;
	_ =	sdelay $0x4  }
0x11c: {  	[tilespmem:v10+s10+$0x0] =	vst.idx.msk $0xffff, v1  }
0x11d: {  	v10 =	vld [tilespmem:$0x180];
	_ =	sdelay $0x4  }
0x11e: {  	v10 =	vshll.u32 v10, $0x7  }
0x11f: {  	v10 =	vor.u32 v0, v10;
	_ =	sdelay $0x4  }
0x120: {  	[tilespmem:v10+s10+$0x0] =	vst.idx.msk $0xffff, v2  }
0x121: {  	v10 =	vld [tilespmem:$0x190];
	_ =	sdelay $0x4  }
0x122: {  	v10 =	vshll.u32 v10, $0x7  }
0x123: {  	v10 =	vor.u32 v3, v10;
	_ =	sdelay $0x4  }
0x124: {  	[tilespmem:v10+s10+$0x0] =	vst.idx.msk $0xffff, v2  }
0x125: {  	v10 =	vld [tilespmem:$0x1A0];
	_ =	sdelay $0x4  }
0x126: {  	v10 =	vshll.u32 v10, $0x7  }
0x127: {  	v10 =	vor.u32 v4, v10;
	_ =	sdelay $0x4  }
0x128: {  	[tilespmem:v10+s10+$0x0] =	vst.idx.msk $0xffff, v2  }
0x129: {  	v10 =	vld [tilespmem:$0x1B0];
	_ =	sdelay $0x4  }
0x12a: {  	v10 =	vshll.u32 v10, $0x7  }
0x12b: {  	v10 =	vor.u32 v5, v10;
	_ =	sdelay $0x4  }
0x12c: {  	[tilespmem:v10+s10+$0x0] =	vst.idx.msk $0xffff, v2  }
0x12d: {  	v10 =	vld [tilespmem:$0x1C0];
	_ =	sdelay $0x4  }
0x12e: {  	v10 =	vshll.u32 v10, $0x7  }
0x12f: {  	v10 =	vor.u32 v6, v10;
	_ =	sdelay $0x4  }
0x130: {  	[tilespmem:v10+s10+$0x0] =	vst.idx.msk $0xffff, v2  }
0x131: {  	v10 =	vld [tilespmem:$0x1D0];
	_ =	sdelay $0x4  }
0x132: {  	v10 =	vshll.u32 v10, $0x7  }
0x133: {  	v10 =	vor.u32 v7, v10;
	_ =	sdelay $0x4  }
0x134: {  	[tilespmem:v10+s10+$0x0] =	vst.idx.msk $0xffff, v2  }
0x135: {  	v10 =	vld [tilespmem:$0x1E0];
	_ =	sdelay $0x4  }
0x136: {  	v10 =	vshll.u32 v10, $0x7  }
0x137: {  	v10 =	vor.u32 v8, v10;
	_ =	sdelay $0x4  }
0x138: {  	[tilespmem:v10+s10+$0x0] =	vst.idx.msk $0xffff, v2  }
0x139: {  	v10 =	vld [tilespmem:$0x1F0];
	_ =	sdelay $0x4  }
0x13a: {  	v10 =	vshll.u32 v10, $0x7  }
0x13b: {  	v10 =	vor.u32 v9, v10;
	_ =	sdelay $0x2  }
0x13c: {  	s14 =	sadd.s32 $0x1, s14  }
0x13d: {  	p0 =	sne.s32 s14, s8  }
.Ltmp1:
0x13e: {  	[tilespmem:v10+s10+$0x0] =	vst.idx.msk $0xffff, v2;
	(pc) =	sbr.rel @p0 .LBB2_1-.Ltmp1, $4  }
0x13f: {  	[hbm4b:s7+s11] =	stream.strided.scatter [tilespmem:s10], [sflag:$0x1], $0x1F400, s12, s11, $0x38;
	[tilespmem:$0x1F600] =	vst v63  }
0x140: {  	_ =	swait.ge [sflag:s13], $0x1F400  }
0x141: {  	[sflag:s13] =	ssyncset.done $0x0  }
0x142: {  	[sflag:s13] =	ssyncadd.s32 $0xFFFE0C00  }
0x143: {  	_ =	sfence.sel $0x180000  }
0x144: {  	[bflag:$0x0] =	sbarrier.arrive $0xFFFF  }
0x145: {  	p0 =	sne.s32 s1, $0x0;
	_ =	strace $0x90000047  }
0x146: {  	s0 =	sadd.s32 @!p0 $0x100000, s0;
	[bflag:$0x2] =	sbarrier.arrive $0xFFFF  }
0x147: {  	[sflag:s0] =	ssyncadd.tile.s32 @!p0 $0x1;
	_ =	shalt  }
.Lfunc_end2:
_tile_overlayer_lowered:
.L_overlay_start_2:
0x148: {  	(tag) =	ssettag $0x2  }
0x149: {  	s0 =	rddreg [dreg:$0x0];
	s2 =	stileid.u32  }
0x14a: {  	s1 =	rddreg [dreg:$0x1];
	p0 =	sne.s32 s2, $0x0  }
0x14b: {  	s3 =	rddreg [dreg:$0x2];
	[bflag:$0x3] =	sbarrier.arrive $0xFFFF;
	s2 =	simm.s32 @!p0 $0x1C03  }
0x14c: {  	[timem:s3], [sflag:s2] =	dma.local @!p0 [hbm:s0], s1  }
0x14d: {  	s0 =	simm.s32 @!p0 $0x3  }
0x14e: {  	_ =	swait.ge @!p0 [sflag:s0], s1  }
0x14f: {  	s1 =	ssub.s32 @!p0 $0x0, s1;
	[sflag:s0] =	ssyncset.done @!p0 $0x0  }
0x150: {  	[sflag:s0] =	ssyncadd.s32 @!p0 s1  }
0x151: {  	[bflag:$0x3] =	sbarrier.arrive $0xFFFF  }
0x152: {  	_ =	shalt  }

</sc_bundles>
